<compile_context>
chip_gen: v7x
topology: tpu7x:2x2x1
jax: 0.10.2.dev20260603
libtpu: 0.0.44.dev20260713+nightly
codegen_flags: <defaults>
</compile_context>

<pallas_src>
import functools

import jax
import jax.numpy as jnp
from jax import lax
from jax.experimental import pallas as pl
from jax.experimental.pallas import tpu as pltpu
from jax.experimental.pallas import tpu_sc as plsc

_NC = 2
_NS = 16
_L = 16
_NW = _NC * _NS
_ROWS = 128
_COLS = 8192
_RPW = _ROWS // _NW
_CHUNKS = _COLS // _L
_UNROLL = 16
_IMAX = 2**31 - 1


@functools.partial(
    pl.kernel,
    out_type=jax.ShapeDtypeStruct((_NW, _L), jnp.int32),
    mesh=plsc.VectorSubcoreMesh(core_axis_name="c", subcore_axis_name="s"),
    scratch_types=[
        pltpu.VMEM((_RPW, _COLS), jnp.float32),
        pltpu.VMEM((_L,), jnp.int32),
    ],
)
def _argmin_sc(x_hbm, out_hbm, xv, res_v):
    wid = lax.axis_index("s") * _NC + lax.axis_index("c")
    base = wid * _RPW
    pltpu.sync_copy(x_hbm.at[pl.ds(base, _RPW)], xv)

    lane = lax.iota(jnp.int32, _L)
    res = jnp.zeros((_L,), jnp.int32)
    inf = jnp.full((_L,), jnp.inf, jnp.float32)
    zero = jnp.zeros((_L,), jnp.int32)
    one = jnp.full((_L,), 1, jnp.int32)
    for r in range(_RPW):
        def step(i, carry, r=r):
            minv, mini, cv = carry
            off = i * (_UNROLL * _L)
            for u in range(_UNROLL):
                v = xv[r, pl.ds(off + u * _L, _L)]
                m = v < minv
                minv = jnp.minimum(minv, v)
                mini = jnp.where(m, cv, mini)
                cv = cv + one
            return minv, mini, cv

        minv, mini, _ = lax.fori_loop(
            0, _CHUNKS // _UNROLL, step, (inf, zero, zero)
        )
        mini = mini * _L + lane
        for sh in (8, 4, 2, 1):
            perm = lane ^ sh
            ov = minv.at[perm].get(mode="promise_in_bounds")
            oi = mini.at[perm].get(mode="promise_in_bounds")
            better = (ov < minv) | ((ov == minv) & (oi < mini))
            minv = jnp.where(better, ov, minv)
            mini = jnp.where(better, oi, mini)
        res = jnp.where(lane == r, mini, res)

    res_v[...] = res
    pltpu.sync_copy(res_v, out_hbm.at[wid])


def kernel(x):
    staged = _argmin_sc(x)
    return staged[:, :_RPW].reshape(_ROWS)

# --- scband reference (transcript-rebuilt; emitter-appended) ---
"""Pipeline reference for scband-model-new-66657892434254 (READ-ONLY COPY).

The authoritative reference and input builder live on the scoring server;
editing this copy changes nothing except your own understanding.
"""

import jax, jax.numpy as jnp
import numpy as np

DIM = 1

def setup_inputs(seed: int = 0) -> dict:
    key = jax.random.key(seed)
    x = jax.random.normal(key, (128, 8192), dtype=jnp.float32)
    return {"x": x}

def reference(x):
    # Faithful translation of triton_argmin: argmin along self.dim,
    # ties broken by lowest index (jnp.argmin matches this tie-break).
    return jnp.argmin(x, axis=DIM)

if __name__ == "__main__":
    import jax
    _d = setup_inputs()
    print(jax.jit(kernel)(*tuple(_d.values())))

</pallas_src>

<mosaic_0001>
#map = affine_map<(d0, d1) -> (0, 0)>
module attributes {stable_mosaic.version = 14 : i64} {
  func.func @_argmin_sc(%arg0: i32, %arg1: i32, %arg2: memref<128x8192xf32, #tpu.memory_space<hbm>>, %arg3: memref<32x16xi32, #tpu.memory_space<hbm>>, %arg4: memref<4x8192xf32, #tpu.memory_space<vmem>>, %arg5: memref<16xi32, #tpu.memory_space<vmem>>) attributes {dimension_semantics = [#tpu.dimension_semantics<core_parallel>, #tpu.dimension_semantics<subcore_parallel>], iteration_bounds = array<i64: 2, 16>, scalar_prefetch = 0 : i64, scratch_operands = 2 : i64, tpu.core_type = #tpu.core_type<sc_vector_subcore>, window_params = [{transform_indices = #map}, {transform_indices = #map}]} {
    %mul3A = arith.constant 2 : i32
    %mul3A_0 = arith.muli %arg1, %mul3A : i32
    %add3A = arith.addi %mul3A_0, %arg0 : i32
    %mul3A_1 = arith.constant 4 : i32
    %mul3A_2 = arith.muli %add3A, %mul3A_1 : i32
    "tpu.region"() ({
      %run_scoped3A = tpu.sem_alloc : memref<!tpu.dma_semaphore, #tpu.memory_space<semaphore_mem>>
      %dma_start3A = arith.constant 0 : i32
      %dma_start3A_541 = tpu.memref_slice %arg2[%mul3A_2, %dma_start3A] : memref<128x8192xf32, #tpu.memory_space<hbm>> -> memref<4x8192xf32, #tpu.memory_space<hbm>>
      %dma_start3A_542 = arith.constant 0 : i32
      %dma_start3A_543 = tpu.memref_slice %arg2[%mul3A_2, %dma_start3A_542] : memref<128x8192xf32, #tpu.memory_space<hbm>> -> memref<4x8192xf32, #tpu.memory_space<hbm>>
      tpu.enqueue_dma source(%dma_start3A_543 : memref<4x8192xf32, #tpu.memory_space<hbm>>) target(%arg4 : memref<4x8192xf32, #tpu.memory_space<vmem>>) target_semaphore(%run_scoped3A : memref<!tpu.dma_semaphore, #tpu.memory_space<semaphore_mem>>)
      %dma_wait3A = arith.constant 0 : i32
      %dma_wait3A_544 = tpu.memref_slice %arg2[%mul3A_2, %dma_wait3A] : memref<128x8192xf32, #tpu.memory_space<hbm>> -> memref<4x8192xf32, #tpu.memory_space<hbm>>
      %dma_wait3A_545 = arith.constant 0 : i32
      %dma_wait3A_546 = tpu.memref_slice %arg2[%mul3A_2, %dma_wait3A_545] : memref<128x8192xf32, #tpu.memory_space<hbm>> -> memref<4x8192xf32, #tpu.memory_space<hbm>>
      tpu.wait_dma2 semaphore(%run_scoped3A : memref<!tpu.dma_semaphore, #tpu.memory_space<semaphore_mem>>) src(%dma_wait3A_546 : memref<4x8192xf32, #tpu.memory_space<hbm>>) dst(%arg4 : memref<4x8192xf32, #tpu.memory_space<vmem>>)
      tpu.yield
    }) : () -> ()
    %iota3A = tpu.iota {dimensions = array<i32: 0>} : vector<16xi32>
    %broadcast_in_dim3A = arith.constant 0 : i32
    %broadcast_in_dim3A_3 = vector.broadcast %broadcast_in_dim3A : i32 to vector<16xi32>
    %broadcast_in_dim3A_4 = arith.constant 0x7F800000 : f32
    %broadcast_in_dim3A_5 = vector.broadcast %broadcast_in_dim3A_4 : f32 to vector<16xf32>
    %broadcast_in_dim3A_6 = arith.constant 0 : i32
    %broadcast_in_dim3A_7 = vector.broadcast %broadcast_in_dim3A_6 : i32 to vector<16xi32>
    %broadcast_in_dim3A_8 = arith.constant 1 : i32
    %broadcast_in_dim3A_9 = vector.broadcast %broadcast_in_dim3A_8 : i32 to vector<16xi32>
    %scan3A = arith.constant 0 : i32
    %scan3A_10 = arith.constant 32 : i32
    %scan3A_11 = arith.addi %scan3A, %scan3A_10 : i32
    %scan3A_12 = arith.constant 1 : i32
    %scan3A_13:3 = scf.for %scan3A_541 = %scan3A to %scan3A_11 step %scan3A_12 iter_args(%scan3A_542 = %broadcast_in_dim3A_5, %scan3A_543 = %broadcast_in_dim3A_7, %scan3A_544 = %broadcast_in_dim3A_7) -> (vector<16xf32>, vector<16xi32>, vector<16xi32>)  : i32 {
      %mul3A_545 = arith.constant 256 : i32
      %mul3A_546 = arith.muli %scan3A_541, %mul3A_545 : i32
      %add3A_547 = arith.constant 0 : i32
      %add3A_548 = arith.addi %mul3A_546, %add3A_547 : i32
      %get3A = arith.constant 0 : i32
      %get3A_549 = arith.index_cast %get3A : i32 to index
      %get3A_550 = arith.index_cast %add3A_548 : i32 to index
      %get3A_551 = tpu.vector_load %arg4[%get3A_549, %get3A_550] {strides = array<i32>} : memref<4x8192xf32, #tpu.memory_space<vmem>>, vector<1x16xf32>,
      %get3A_552 = vector.shape_cast %get3A_551 : vector<1x16xf32> to vector<16xf32>
      %lt3A_553 = arith.cmpf olt, %get3A_552, %scan3A_542 : vector<16xf32>
      %min3A = arith.minimumf %scan3A_542, %get3A_552 : vector<16xf32>
      %select_n3A_554 = arith.select %lt3A_553, %scan3A_544, %scan3A_543 : vector<16xi1>, vector<16xi32>
      %add3A_555 = arith.addi %scan3A_544, %broadcast_in_dim3A_9 : vector<16xi32>
      %add3A_556 = arith.constant 16 : i32
      %add3A_557 = arith.addi %mul3A_546, %add3A_556 : i32
      %get3A_558 = arith.constant 0 : i32
      %get3A_559 = arith.index_cast %get3A_558 : i32 to index
      %get3A_560 = arith.index_cast %add3A_557 : i32 to index
      %get3A_561 = tpu.vector_load %arg4[%get3A_559, %get3A_560] {strides = array<i32>} : memref<4x8192xf32, #tpu.memory_space<vmem>>, vector<1x16xf32>,
      %get3A_562 = vector.shape_cast %get3A_561 : vector<1x16xf32> to vector<16xf32>
      %lt3A_563 = arith.cmpf olt, %get3A_562, %min3A : vector<16xf32>
      %min3A_564 = arith.minimumf %min3A, %get3A_562 : vector<16xf32>
      %select_n3A_565 = arith.select %lt3A_563, %add3A_555, %select_n3A_554 : vector<16xi1>, vector<16xi32>
      %add3A_566 = arith.addi %add3A_555, %broadcast_in_dim3A_9 : vector<16xi32>
      %add3A_567 = arith.constant 32 : i32
      %add3A_568 = arith.addi %mul3A_546, %add3A_567 : i32
      %get3A_569 = arith.constant 0 : i32
      %get3A_570 = arith.index_cast %get3A_569 : i32 to index
      %get3A_571 = arith.index_cast %add3A_568 : i32 to index
      %get3A_572 = tpu.vector_load %arg4[%get3A_570, %get3A_571] {strides = array<i32>} : memref<4x8192xf32, #tpu.memory_space<vmem>>, vector<1x16xf32>,
      %get3A_573 = vector.shape_cast %get3A_572 : vector<1x16xf32> to vector<16xf32>
      %lt3A_574 = arith.cmpf olt, %get3A_573, %min3A_564 : vector<16xf32>
      %min3A_575 = arith.minimumf %min3A_564, %get3A_573 : vector<16xf32>
      %select_n3A_576 = arith.select %lt3A_574, %add3A_566, %select_n3A_565 : vector<16xi1>, vector<16xi32>
      %add3A_577 = arith.addi %add3A_566, %broadcast_in_dim3A_9 : vector<16xi32>
      %add3A_578 = arith.constant 48 : i32
      %add3A_579 = arith.addi %mul3A_546, %add3A_578 : i32
      %get3A_580 = arith.constant 0 : i32
      %get3A_581 = arith.index_cast %get3A_580 : i32 to index
      %get3A_582 = arith.index_cast %add3A_579 : i32 to index
      %get3A_583 = tpu.vector_load %arg4[%get3A_581, %get3A_582] {strides = array<i32>} : memref<4x8192xf32, #tpu.memory_space<vmem>>, vector<1x16xf32>,
      %get3A_584 = vector.shape_cast %get3A_583 : vector<1x16xf32> to vector<16xf32>
      %lt3A_585 = arith.cmpf olt, %get3A_584, %min3A_575 : vector<16xf32>
      %min3A_586 = arith.minimumf %min3A_575, %get3A_584 : vector<16xf32>
      %select_n3A_587 = arith.select %lt3A_585, %add3A_577, %select_n3A_576 : vector<16xi1>, vector<16xi32>
      %add3A_588 = arith.addi %add3A_577, %broadcast_in_dim3A_9 : vector<16xi32>
      %add3A_589 = arith.constant 64 : i32
      %add3A_590 = arith.addi %mul3A_546, %add3A_589 : i32
      %get3A_591 = arith.constant 0 : i32
      %get3A_592 = arith.index_cast %get3A_591 : i32 to index
      %get3A_593 = arith.index_cast %add3A_590 : i32 to index
      %get3A_594 = tpu.vector_load %arg4[%get3A_592, %get3A_593] {strides = array<i32>} : memref<4x8192xf32, #tpu.memory_space<vmem>>, vector<1x16xf32>,
      %get3A_595 = vector.shape_cast %get3A_594 : vector<1x16xf32> to vector<16xf32>
      %lt3A_596 = arith.cmpf olt, %get3A_595, %min3A_586 : vector<16xf32>
      %min3A_597 = arith.minimumf %min3A_586, %get3A_595 : vector<16xf32>
      %select_n3A_598 = arith.select %lt3A_596, %add3A_588, %select_n3A_587 : vector<16xi1>, vector<16xi32>
      %add3A_599 = arith.addi %add3A_588, %broadcast_in_dim3A_9 : vector<16xi32>
      %add3A_600 = arith.constant 80 : i32
      %add3A_601 = arith.addi %mul3A_546, %add3A_600 : i32
      %get3A_602 = arith.constant 0 : i32
      %get3A_603 = arith.index_cast %get3A_602 : i32 to index
      %get3A_604 = arith.index_cast %add3A_601 : i32 to index
      %get3A_605 = tpu.vector_load %arg4[%get3A_603, %get3A_604] {strides = array<i32>} : memref<4x8192xf32, #tpu.memory_space<vmem>>, vector<1x16xf32>,
      %get3A_606 = vector.shape_cast %get3A_605 : vector<1x16xf32> to vector<16xf32>
      %lt3A_607 = arith.cmpf olt, %get3A_606, %min3A_597 : vector<16xf32>
      %min3A_608 = arith.minimumf %min3A_597, %get3A_606 : vector<16xf32>
      %select_n3A_609 = arith.select %lt3A_607, %add3A_599, %select_n3A_598 : vector<16xi1>, vector<16xi32>
      %add3A_610 = arith.addi %add3A_599, %broadcast_in_dim3A_9 : vector<16xi32>
      %add3A_611 = arith.constant 96 : i32
      %add3A_612 = arith.addi %mul3A_546, %add3A_611 : i32
      %get3A_613 = arith.constant 0 : i32
      %get3A_614 = arith.index_cast %get3A_613 : i32 to index
      %get3A_615 = arith.index_cast %add3A_612 : i32 to index
      %get3A_616 = tpu.vector_load %arg4[%get3A_614, %get3A_615] {strides = array<i32>} : memref<4x8192xf32, #tpu.memory_space<vmem>>, vector<1x16xf32>,
      %get3A_617 = vector.shape_cast %get3A_616 : vector<1x16xf32> to vector<16xf32>
      %lt3A_618 = arith.cmpf olt, %get3A_617, %min3A_608 : vector<16xf32>
      %min3A_619 = arith.minimumf %min3A_608, %get3A_617 : vector<16xf32>
      %select_n3A_620 = arith.select %lt3A_618, %add3A_610, %select_n3A_609 : vector<16xi1>, vector<16xi32>
      %add3A_621 = arith.addi %add3A_610, %broadcast_in_dim3A_9 : vector<16xi32>
      %add3A_622 = arith.constant 112 : i32
      %add3A_623 = arith.addi %mul3A_546, %add3A_622 : i32
      %get3A_624 = arith.constant 0 : i32
      %get3A_625 = arith.index_cast %get3A_624 : i32 to index
      %get3A_626 = arith.index_cast %add3A_623 : i32 to index
      %get3A_627 = tpu.vector_load %arg4[%get3A_625, %get3A_626] {strides = array<i32>} : memref<4x8192xf32, #tpu.memory_space<vmem>>, vector<1x16xf32>,
      %get3A_628 = vector.shape_cast %get3A_627 : vector<1x16xf32> to vector<16xf32>
      %lt3A_629 = arith.cmpf olt, %get3A_628, %min3A_619 : vector<16xf32>
      %min3A_630 = arith.minimumf %min3A_619, %get3A_628 : vector<16xf32>
      %select_n3A_631 = arith.select %lt3A_629, %add3A_621, %select_n3A_620 : vector<16xi1>, vector<16xi32>
      %add3A_632 = arith.addi %add3A_621, %broadcast_in_dim3A_9 : vector<16xi32>
      %add3A_633 = arith.constant 128 : i32
      %add3A_634 = arith.addi %mul3A_546, %add3A_633 : i32
      %get3A_635 = arith.constant 0 : i32
      %get3A_636 = arith.index_cast %get3A_635 : i32 to index
      %get3A_637 = arith.index_cast %add3A_634 : i32 to index
      %get3A_638 = tpu.vector_load %arg4[%get3A_636, %get3A_637] {strides = array<i32>} : memref<4x8192xf32, #tpu.memory_space<vmem>>, vector<1x16xf32>,
      %get3A_639 = vector.shape_cast %get3A_638 : vector<1x16xf32> to vector<16xf32>
      %lt3A_640 = arith.cmpf olt, %get3A_639, %min3A_630 : vector<16xf32>
      %min3A_641 = arith.minimumf %min3A_630, %get3A_639 : vector<16xf32>
      %select_n3A_642 = arith.select %lt3A_640, %add3A_632, %select_n3A_631 : vector<16xi1>, vector<16xi32>
      %add3A_643 = arith.addi %add3A_632, %broadcast_in_dim3A_9 : vector<16xi32>
      %add3A_644 = arith.constant 144 : i32
      %add3A_645 = arith.addi %mul3A_546, %add3A_644 : i32
      %get3A_646 = arith.constant 0 : i32
      %get3A_647 = arith.index_cast %get3A_646 : i32 to index
      %get3A_648 = arith.index_cast %add3A_645 : i32 to index
      %get3A_649 = tpu.vector_load %arg4[%get3A_647, %get3A_648] {strides = array<i32>} : memref<4x8192xf32, #tpu.memory_space<vmem>>, vector<1x16xf32>,
      %get3A_650 = vector.shape_cast %get3A_649 : vector<1x16xf32> to vector<16xf32>
      %lt3A_651 = arith.cmpf olt, %get3A_650, %min3A_641 : vector<16xf32>
      %min3A_652 = arith.minimumf %min3A_641, %get3A_650 : vector<16xf32>
      %select_n3A_653 = arith.select %lt3A_651, %add3A_643, %select_n3A_642 : vector<16xi1>, vector<16xi32>
      %add3A_654 = arith.addi %add3A_643, %broadcast_in_dim3A_9 : vector<16xi32>
      %add3A_655 = arith.constant 160 : i32
      %add3A_656 = arith.addi %mul3A_546, %add3A_655 : i32
      %get3A_657 = arith.constant 0 : i32
      %get3A_658 = arith.index_cast %get3A_657 : i32 to index
      %get3A_659 = arith.index_cast %add3A_656 : i32 to index
      %get3A_660 = tpu.vector_load %arg4[%get3A_658, %get3A_659] {strides = array<i32>} : memref<4x8192xf32, #tpu.memory_space<vmem>>, vector<1x16xf32>,
      %get3A_661 = vector.shape_cast %get3A_660 : vector<1x16xf32> to vector<16xf32>
      %lt3A_662 = arith.cmpf olt, %get3A_661, %min3A_652 : vector<16xf32>
      %min3A_663 = arith.minimumf %min3A_652, %get3A_661 : vector<16xf32>
      %select_n3A_664 = arith.select %lt3A_662, %add3A_654, %select_n3A_653 : vector<16xi1>, vector<16xi32>
      %add3A_665 = arith.addi %add3A_654, %broadcast_in_dim3A_9 : vector<16xi32>
      %add3A_666 = arith.constant 176 : i32
      %add3A_667 = arith.addi %mul3A_546, %add3A_666 : i32
      %get3A_668 = arith.constant 0 : i32
      %get3A_669 = arith.index_cast %get3A_668 : i32 to index
      %get3A_670 = arith.index_cast %add3A_667 : i32 to index
      %get3A_671 = tpu.vector_load %arg4[%get3A_669, %get3A_670] {strides = array<i32>} : memref<4x8192xf32, #tpu.memory_space<vmem>>, vector<1x16xf32>,
      %get3A_672 = vector.shape_cast %get3A_671 : vector<1x16xf32> to vector<16xf32>
      %lt3A_673 = arith.cmpf olt, %get3A_672, %min3A_663 : vector<16xf32>
      %min3A_674 = arith.minimumf %min3A_663, %get3A_672 : vector<16xf32>
      %select_n3A_675 = arith.select %lt3A_673, %add3A_665, %select_n3A_664 : vector<16xi1>, vector<16xi32>
      %add3A_676 = arith.addi %add3A_665, %broadcast_in_dim3A_9 : vector<16xi32>
      %add3A_677 = arith.constant 192 : i32
      %add3A_678 = arith.addi %mul3A_546, %add3A_677 : i32
      %get3A_679 = arith.constant 0 : i32
      %get3A_680 = arith.index_cast %get3A_679 : i32 to index
      %get3A_681 = arith.index_cast %add3A_678 : i32 to index
      %get3A_682 = tpu.vector_load %arg4[%get3A_680, %get3A_681] {strides = array<i32>} : memref<4x8192xf32, #tpu.memory_space<vmem>>, vector<1x16xf32>,
      %get3A_683 = vector.shape_cast %get3A_682 : vector<1x16xf32> to vector<16xf32>
      %lt3A_684 = arith.cmpf olt, %get3A_683, %min3A_674 : vector<16xf32>
      %min3A_685 = arith.minimumf %min3A_674, %get3A_683 : vector<16xf32>
      %select_n3A_686 = arith.select %lt3A_684, %add3A_676, %select_n3A_675 : vector<16xi1>, vector<16xi32>
      %add3A_687 = arith.addi %add3A_676, %broadcast_in_dim3A_9 : vector<16xi32>
      %add3A_688 = arith.constant 208 : i32
      %add3A_689 = arith.addi %mul3A_546, %add3A_688 : i32
      %get3A_690 = arith.constant 0 : i32
      %get3A_691 = arith.index_cast %get3A_690 : i32 to index
      %get3A_692 = arith.index_cast %add3A_689 : i32 to index
      %get3A_693 = tpu.vector_load %arg4[%get3A_691, %get3A_692] {strides = array<i32>} : memref<4x8192xf32, #tpu.memory_space<vmem>>, vector<1x16xf32>,
      %get3A_694 = vector.shape_cast %get3A_693 : vector<1x16xf32> to vector<16xf32>
      %lt3A_695 = arith.cmpf olt, %get3A_694, %min3A_685 : vector<16xf32>
      %min3A_696 = arith.minimumf %min3A_685, %get3A_694 : vector<16xf32>
      %select_n3A_697 = arith.select %lt3A_695, %add3A_687, %select_n3A_686 : vector<16xi1>, vector<16xi32>
      %add3A_698 = arith.addi %add3A_687, %broadcast_in_dim3A_9 : vector<16xi32>
      %add3A_699 = arith.constant 224 : i32
      %add3A_700 = arith.addi %mul3A_546, %add3A_699 : i32
      %get3A_701 = arith.constant 0 : i32
      %get3A_702 = arith.index_cast %get3A_701 : i32 to index
      %get3A_703 = arith.index_cast %add3A_700 : i32 to index
      %get3A_704 = tpu.vector_load %arg4[%get3A_702, %get3A_703] {strides = array<i32>} : memref<4x8192xf32, #tpu.memory_space<vmem>>, vector<1x16xf32>,
      %get3A_705 = vector.shape_cast %get3A_704 : vector<1x16xf32> to vector<16xf32>
      %lt3A_706 = arith.cmpf olt, %get3A_705, %min3A_696 : vector<16xf32>
      %min3A_707 = arith.minimumf %min3A_696, %get3A_705 : vector<16xf32>
      %select_n3A_708 = arith.select %lt3A_706, %add3A_698, %select_n3A_697 : vector<16xi1>, vector<16xi32>
      %add3A_709 = arith.addi %add3A_698, %broadcast_in_dim3A_9 : vector<16xi32>
      %add3A_710 = arith.constant 240 : i32
      %add3A_711 = arith.addi %mul3A_546, %add3A_710 : i32
      %get3A_712 = arith.constant 0 : i32
      %get3A_713 = arith.index_cast %get3A_712 : i32 to index
      %get3A_714 = arith.index_cast %add3A_711 : i32 to index
      %get3A_715 = tpu.vector_load %arg4[%get3A_713, %get3A_714] {strides = array<i32>} : memref<4x8192xf32, #tpu.memory_space<vmem>>, vector<1x16xf32>,
      %get3A_716 = vector.shape_cast %get3A_715 : vector<1x16xf32> to vector<16xf32>
      %lt3A_717 = arith.cmpf olt, %get3A_716, %min3A_707 : vector<16xf32>
      %min3A_718 = arith.minimumf %min3A_707, %get3A_716 : vector<16xf32>
      %select_n3A_719 = arith.select %lt3A_717, %add3A_709, %select_n3A_708 : vector<16xi1>, vector<16xi32>
      %add3A_720 = arith.addi %add3A_709, %broadcast_in_dim3A_9 : vector<16xi32>
      scf.yield %min3A_718, %select_n3A_719, %add3A_720 : vector<16xf32>, vector<16xi32>, vector<16xi32>
    }
    %scan3A_14 = arith.constant 32 : i32
    %mul3A_15 = arith.constant 16 : i32
    %mul3A_16 = vector.broadcast %mul3A_15 : i32 to vector<16xi32>
    %mul3A_17 = arith.muli %scan3A_13#1, %mul3A_16 : vector<16xi32>
    %add3A_18 = arith.addi %mul3A_17, %iota3A : vector<16xi32>
    %xor3A = arith.constant 8 : i32
    %xor3A_19 = vector.broadcast %xor3A : i32 to vector<16xi32>
    %xor3A_20 = arith.xori %iota3A, %xor3A_19 : vector<16xi32>
    %lt3A = arith.constant 0 : i32
    %lt3A_21 = vector.broadcast %lt3A : i32 to vector<16xi32>
    %lt3A_22 = arith.cmpi slt, %xor3A_20, %lt3A_21 : vector<16xi32>
    %add3A_23 = arith.constant 16 : i32
    %add3A_24 = vector.broadcast %add3A_23 : i32 to vector<16xi32>
    %add3A_25 = arith.addi %xor3A_20, %add3A_24 : vector<16xi32>
    %select_n3A = arith.select %lt3A_22, %add3A_25, %xor3A_20 : vector<16xi1>, vector<16xi32>
    %broadcast_in_dim3A_26 = vector.shape_cast %select_n3A : vector<16xi32> to vector<16x1xi32>
    %gather3A = vector.shape_cast %broadcast_in_dim3A_26 : vector<16x1xi32> to vector<16xi32>
    %gather3A_27 = tpu.dynamic_gather %scan3A_13#0[%gather3A] in [0] : vector<16xf32>, vector<16xi32> -> vector<16xf32>
    %lt3A_28 = arith.constant 0 : i32
    %lt3A_29 = vector.broadcast %lt3A_28 : i32 to vector<16xi32>
    %lt3A_30 = arith.cmpi slt, %xor3A_20, %lt3A_29 : vector<16xi32>
    %add3A_31 = arith.constant 16 : i32
    %add3A_32 = vector.broadcast %add3A_31 : i32 to vector<16xi32>
    %add3A_33 = arith.addi %xor3A_20, %add3A_32 : vector<16xi32>
    %select_n3A_34 = arith.select %lt3A_30, %add3A_33, %xor3A_20 : vector<16xi1>, vector<16xi32>
    %broadcast_in_dim3A_35 = vector.shape_cast %select_n3A_34 : vector<16xi32> to vector<16x1xi32>
    %gather3A_36 = vector.shape_cast %broadcast_in_dim3A_35 : vector<16x1xi32> to vector<16xi32>
    %gather3A_37 = tpu.dynamic_gather %add3A_18[%gather3A_36] in [0] : vector<16xi32>, vector<16xi32> -> vector<16xi32>
    %lt3A_38 = arith.cmpf olt, %gather3A_27, %scan3A_13#0 : vector<16xf32>
    %eq3A = arith.cmpf oeq, %gather3A_27, %scan3A_13#0 : vector<16xf32>
    %lt3A_39 = arith.cmpi slt, %gather3A_37, %add3A_18 : vector<16xi32>
    %and3A = arith.andi %eq3A, %lt3A_39 : vector<16xi1>
    %or3A = arith.ori %lt3A_38, %and3A : vector<16xi1>
    %select_n3A_40 = arith.select %or3A, %gather3A_27, %scan3A_13#0 : vector<16xi1>, vector<16xf32>
    %select_n3A_41 = arith.select %or3A, %gather3A_37, %add3A_18 : vector<16xi1>, vector<16xi32>
    %xor3A_42 = arith.constant 4 : i32
    %xor3A_43 = vector.broadcast %xor3A_42 : i32 to vector<16xi32>
    %xor3A_44 = arith.xori %iota3A, %xor3A_43 : vector<16xi32>
    %lt3A_45 = arith.constant 0 : i32
    %lt3A_46 = vector.broadcast %lt3A_45 : i32 to vector<16xi32>
    %lt3A_47 = arith.cmpi slt, %xor3A_44, %lt3A_46 : vector<16xi32>
    %add3A_48 = arith.constant 16 : i32
    %add3A_49 = vector.broadcast %add3A_48 : i32 to vector<16xi32>
    %add3A_50 = arith.addi %xor3A_44, %add3A_49 : vector<16xi32>
    %select_n3A_51 = arith.select %lt3A_47, %add3A_50, %xor3A_44 : vector<16xi1>, vector<16xi32>
    %broadcast_in_dim3A_52 = vector.shape_cast %select_n3A_51 : vector<16xi32> to vector<16x1xi32>
    %gather3A_53 = vector.shape_cast %broadcast_in_dim3A_52 : vector<16x1xi32> to vector<16xi32>
    %gather3A_54 = tpu.dynamic_gather %select_n3A_40[%gather3A_53] in [0] : vector<16xf32>, vector<16xi32> -> vector<16xf32>
    %lt3A_55 = arith.constant 0 : i32
    %lt3A_56 = vector.broadcast %lt3A_55 : i32 to vector<16xi32>
    %lt3A_57 = arith.cmpi slt, %xor3A_44, %lt3A_56 : vector<16xi32>
    %add3A_58 = arith.constant 16 : i32
    %add3A_59 = vector.broadcast %add3A_58 : i32 to vector<16xi32>
    %add3A_60 = arith.addi %xor3A_44, %add3A_59 : vector<16xi32>
    %select_n3A_61 = arith.select %lt3A_57, %add3A_60, %xor3A_44 : vector<16xi1>, vector<16xi32>
    %broadcast_in_dim3A_62 = vector.shape_cast %select_n3A_61 : vector<16xi32> to vector<16x1xi32>
    %gather3A_63 = vector.shape_cast %broadcast_in_dim3A_62 : vector<16x1xi32> to vector<16xi32>
    %gather3A_64 = tpu.dynamic_gather %select_n3A_41[%gather3A_63] in [0] : vector<16xi32>, vector<16xi32> -> vector<16xi32>
    %lt3A_65 = arith.cmpf olt, %gather3A_54, %select_n3A_40 : vector<16xf32>
    %eq3A_66 = arith.cmpf oeq, %gather3A_54, %select_n3A_40 : vector<16xf32>
    %lt3A_67 = arith.cmpi slt, %gather3A_64, %select_n3A_41 : vector<16xi32>
    %and3A_68 = arith.andi %eq3A_66, %lt3A_67 : vector<16xi1>
    %or3A_69 = arith.ori %lt3A_65, %and3A_68 : vector<16xi1>
    %select_n3A_70 = arith.select %or3A_69, %gather3A_54, %select_n3A_40 : vector<16xi1>, vector<16xf32>
    %select_n3A_71 = arith.select %or3A_69, %gather3A_64, %select_n3A_41 : vector<16xi1>, vector<16xi32>
    %xor3A_72 = arith.constant 2 : i32
    %xor3A_73 = vector.broadcast %xor3A_72 : i32 to vector<16xi32>
    %xor3A_74 = arith.xori %iota3A, %xor3A_73 : vector<16xi32>
    %lt3A_75 = arith.constant 0 : i32
    %lt3A_76 = vector.broadcast %lt3A_75 : i32 to vector<16xi32>
    %lt3A_77 = arith.cmpi slt, %xor3A_74, %lt3A_76 : vector<16xi32>
    %add3A_78 = arith.constant 16 : i32
    %add3A_79 = vector.broadcast %add3A_78 : i32 to vector<16xi32>
    %add3A_80 = arith.addi %xor3A_74, %add3A_79 : vector<16xi32>
    %select_n3A_81 = arith.select %lt3A_77, %add3A_80, %xor3A_74 : vector<16xi1>, vector<16xi32>
    %broadcast_in_dim3A_82 = vector.shape_cast %select_n3A_81 : vector<16xi32> to vector<16x1xi32>
    %gather3A_83 = vector.shape_cast %broadcast_in_dim3A_82 : vector<16x1xi32> to vector<16xi32>
    %gather3A_84 = tpu.dynamic_gather %select_n3A_70[%gather3A_83] in [0] : vector<16xf32>, vector<16xi32> -> vector<16xf32>
    %lt3A_85 = arith.constant 0 : i32
    %lt3A_86 = vector.broadcast %lt3A_85 : i32 to vector<16xi32>
    %lt3A_87 = arith.cmpi slt, %xor3A_74, %lt3A_86 : vector<16xi32>
    %add3A_88 = arith.constant 16 : i32
    %add3A_89 = vector.broadcast %add3A_88 : i32 to vector<16xi32>
    %add3A_90 = arith.addi %xor3A_74, %add3A_89 : vector<16xi32>
    %select_n3A_91 = arith.select %lt3A_87, %add3A_90, %xor3A_74 : vector<16xi1>, vector<16xi32>
    %broadcast_in_dim3A_92 = vector.shape_cast %select_n3A_91 : vector<16xi32> to vector<16x1xi32>
    %gather3A_93 = vector.shape_cast %broadcast_in_dim3A_92 : vector<16x1xi32> to vector<16xi32>
    %gather3A_94 = tpu.dynamic_gather %select_n3A_71[%gather3A_93] in [0] : vector<16xi32>, vector<16xi32> -> vector<16xi32>
    %lt3A_95 = arith.cmpf olt, %gather3A_84, %select_n3A_70 : vector<16xf32>
    %eq3A_96 = arith.cmpf oeq, %gather3A_84, %select_n3A_70 : vector<16xf32>
    %lt3A_97 = arith.cmpi slt, %gather3A_94, %select_n3A_71 : vector<16xi32>
    %and3A_98 = arith.andi %eq3A_96, %lt3A_97 : vector<16xi1>
    %or3A_99 = arith.ori %lt3A_95, %and3A_98 : vector<16xi1>
    %select_n3A_100 = arith.select %or3A_99, %gather3A_84, %select_n3A_70 : vector<16xi1>, vector<16xf32>
    %select_n3A_101 = arith.select %or3A_99, %gather3A_94, %select_n3A_71 : vector<16xi1>, vector<16xi32>
    %xor3A_102 = arith.constant 1 : i32
    %xor3A_103 = vector.broadcast %xor3A_102 : i32 to vector<16xi32>
    %xor3A_104 = arith.xori %iota3A, %xor3A_103 : vector<16xi32>
    %lt3A_105 = arith.constant 0 : i32
    %lt3A_106 = vector.broadcast %lt3A_105 : i32 to vector<16xi32>
    %lt3A_107 = arith.cmpi slt, %xor3A_104, %lt3A_106 : vector<16xi32>
    %add3A_108 = arith.constant 16 : i32
    %add3A_109 = vector.broadcast %add3A_108 : i32 to vector<16xi32>
    %add3A_110 = arith.addi %xor3A_104, %add3A_109 : vector<16xi32>
    %select_n3A_111 = arith.select %lt3A_107, %add3A_110, %xor3A_104 : vector<16xi1>, vector<16xi32>
    %broadcast_in_dim3A_112 = vector.shape_cast %select_n3A_111 : vector<16xi32> to vector<16x1xi32>
    %gather3A_113 = vector.shape_cast %broadcast_in_dim3A_112 : vector<16x1xi32> to vector<16xi32>
    %gather3A_114 = tpu.dynamic_gather %select_n3A_100[%gather3A_113] in [0] : vector<16xf32>, vector<16xi32> -> vector<16xf32>
    %lt3A_115 = arith.constant 0 : i32
    %lt3A_116 = vector.broadcast %lt3A_115 : i32 to vector<16xi32>
    %lt3A_117 = arith.cmpi slt, %xor3A_104, %lt3A_116 : vector<16xi32>
    %add3A_118 = arith.constant 16 : i32
    %add3A_119 = vector.broadcast %add3A_118 : i32 to vector<16xi32>
    %add3A_120 = arith.addi %xor3A_104, %add3A_119 : vector<16xi32>
    %select_n3A_121 = arith.select %lt3A_117, %add3A_120, %xor3A_104 : vector<16xi1>, vector<16xi32>
    %broadcast_in_dim3A_122 = vector.shape_cast %select_n3A_121 : vector<16xi32> to vector<16x1xi32>
    %gather3A_123 = vector.shape_cast %broadcast_in_dim3A_122 : vector<16x1xi32> to vector<16xi32>
    %gather3A_124 = tpu.dynamic_gather %select_n3A_101[%gather3A_123] in [0] : vector<16xi32>, vector<16xi32> -> vector<16xi32>
    %lt3A_125 = arith.cmpf olt, %gather3A_114, %select_n3A_100 : vector<16xf32>
    %eq3A_126 = arith.cmpf oeq, %gather3A_114, %select_n3A_100 : vector<16xf32>
    %lt3A_127 = arith.cmpi slt, %gather3A_124, %select_n3A_101 : vector<16xi32>
    %and3A_128 = arith.andi %eq3A_126, %lt3A_127 : vector<16xi1>
    %or3A_129 = arith.ori %lt3A_125, %and3A_128 : vector<16xi1>
    %select_n3A_130 = arith.select %or3A_129, %gather3A_114, %select_n3A_100 : vector<16xi1>, vector<16xf32>
    %select_n3A_131 = arith.select %or3A_129, %gather3A_124, %select_n3A_101 : vector<16xi1>, vector<16xi32>
    %eq3A_132 = arith.constant 0 : i32
    %eq3A_133 = vector.broadcast %eq3A_132 : i32 to vector<16xi32>
    %eq3A_134 = arith.cmpi eq, %iota3A, %eq3A_133 : vector<16xi32>
    %select_n3A_135 = arith.select %eq3A_134, %select_n3A_131, %broadcast_in_dim3A_3 : vector<16xi1>, vector<16xi32>
    %scan3A_136 = arith.constant 0 : i32
    %scan3A_137 = arith.constant 32 : i32
    %scan3A_138 = arith.addi %scan3A_136, %scan3A_137 : i32
    %scan3A_139 = arith.constant 1 : i32
    %scan3A_140:3 = scf.for %scan3A_541 = %scan3A_136 to %scan3A_138 step %scan3A_139 iter_args(%scan3A_542 = %broadcast_in_dim3A_5, %scan3A_543 = %broadcast_in_dim3A_7, %scan3A_544 = %broadcast_in_dim3A_7) -> (vector<16xf32>, vector<16xi32>, vector<16xi32>)  : i32 {
      %mul3A_545 = arith.constant 256 : i32
      %mul3A_546 = arith.muli %scan3A_541, %mul3A_545 : i32
      %add3A_547 = arith.constant 0 : i32
      %add3A_548 = arith.addi %mul3A_546, %add3A_547 : i32
      %get3A = arith.constant 1 : i32
      %get3A_549 = arith.index_cast %get3A : i32 to index
      %get3A_550 = arith.index_cast %add3A_548 : i32 to index
      %get3A_551 = tpu.vector_load %arg4[%get3A_549, %get3A_550] {strides = array<i32>} : memref<4x8192xf32, #tpu.memory_space<vmem>>, vector<1x16xf32>,
      %get3A_552 = vector.shape_cast %get3A_551 : vector<1x16xf32> to vector<16xf32>
      %lt3A_553 = arith.cmpf olt, %get3A_552, %scan3A_542 : vector<16xf32>
      %min3A = arith.minimumf %scan3A_542, %get3A_552 : vector<16xf32>
      %select_n3A_554 = arith.select %lt3A_553, %scan3A_544, %scan3A_543 : vector<16xi1>, vector<16xi32>
      %add3A_555 = arith.addi %scan3A_544, %broadcast_in_dim3A_9 : vector<16xi32>
      %add3A_556 = arith.constant 16 : i32
      %add3A_557 = arith.addi %mul3A_546, %add3A_556 : i32
      %get3A_558 = arith.constant 1 : i32
      %get3A_559 = arith.index_cast %get3A_558 : i32 to index
      %get3A_560 = arith.index_cast %add3A_557 : i32 to index
      %get3A_561 = tpu.vector_load %arg4[%get3A_559, %get3A_560] {strides = array<i32>} : memref<4x8192xf32, #tpu.memory_space<vmem>>, vector<1x16xf32>,
      %get3A_562 = vector.shape_cast %get3A_561 : vector<1x16xf32> to vector<16xf32>
      %lt3A_563 = arith.cmpf olt, %get3A_562, %min3A : vector<16xf32>
      %min3A_564 = arith.minimumf %min3A, %get3A_562 : vector<16xf32>
      %select_n3A_565 = arith.select %lt3A_563, %add3A_555, %select_n3A_554 : vector<16xi1>, vector<16xi32>
      %add3A_566 = arith.addi %add3A_555, %broadcast_in_dim3A_9 : vector<16xi32>
      %add3A_567 = arith.constant 32 : i32
      %add3A_568 = arith.addi %mul3A_546, %add3A_567 : i32
      %get3A_569 = arith.constant 1 : i32
      %get3A_570 = arith.index_cast %get3A_569 : i32 to index
      %get3A_571 = arith.index_cast %add3A_568 : i32 to index
      %get3A_572 = tpu.vector_load %arg4[%get3A_570, %get3A_571] {strides = array<i32>} : memref<4x8192xf32, #tpu.memory_space<vmem>>, vector<1x16xf32>,
      %get3A_573 = vector.shape_cast %get3A_572 : vector<1x16xf32> to vector<16xf32>
      %lt3A_574 = arith.cmpf olt, %get3A_573, %min3A_564 : vector<16xf32>
      %min3A_575 = arith.minimumf %min3A_564, %get3A_573 : vector<16xf32>
      %select_n3A_576 = arith.select %lt3A_574, %add3A_566, %select_n3A_565 : vector<16xi1>, vector<16xi32>
      %add3A_577 = arith.addi %add3A_566, %broadcast_in_dim3A_9 : vector<16xi32>
      %add3A_578 = arith.constant 48 : i32
      %add3A_579 = arith.addi %mul3A_546, %add3A_578 : i32
      %get3A_580 = arith.constant 1 : i32
      %get3A_581 = arith.index_cast %get3A_580 : i32 to index
      %get3A_582 = arith.index_cast %add3A_579 : i32 to index
      %get3A_583 = tpu.vector_load %arg4[%get3A_581, %get3A_582] {strides = array<i32>} : memref<4x8192xf32, #tpu.memory_space<vmem>>, vector<1x16xf32>,
      %get3A_584 = vector.shape_cast %get3A_583 : vector<1x16xf32> to vector<16xf32>
      %lt3A_585 = arith.cmpf olt, %get3A_584, %min3A_575 : vector<16xf32>
      %min3A_586 = arith.minimumf %min3A_575, %get3A_584 : vector<16xf32>
      %select_n3A_587 = arith.select %lt3A_585, %add3A_577, %select_n3A_576 : vector<16xi1>, vector<16xi32>
      %add3A_588 = arith.addi %add3A_577, %broadcast_in_dim3A_9 : vector<16xi32>
      %add3A_589 = arith.constant 64 : i32
      %add3A_590 = arith.addi %mul3A_546, %add3A_589 : i32
      %get3A_591 = arith.constant 1 : i32
      %get3A_592 = arith.index_cast %get3A_591 : i32 to index
      %get3A_593 = arith.index_cast %add3A_590 : i32 to index
      %get3A_594 = tpu.vector_load %arg4[%get3A_592, %get3A_593] {strides = array<i32>} : memref<4x8192xf32, #tpu.memory_space<vmem>>, vector<1x16xf32>,
      %get3A_595 = vector.shape_cast %get3A_594 : vector<1x16xf32> to vector<16xf32>
      %lt3A_596 = arith.cmpf olt, %get3A_595, %min3A_586 : vector<16xf32>
      %min3A_597 = arith.minimumf %min3A_586, %get3A_595 : vector<16xf32>
      %select_n3A_598 = arith.select %lt3A_596, %add3A_588, %select_n3A_587 : vector<16xi1>, vector<16xi32>
      %add3A_599 = arith.addi %add3A_588, %broadcast_in_dim3A_9 : vector<16xi32>
      %add3A_600 = arith.constant 80 : i32
      %add3A_601 = arith.addi %mul3A_546, %add3A_600 : i32
      %get3A_602 = arith.constant 1 : i32
      %get3A_603 = arith.index_cast %get3A_602 : i32 to index
      %get3A_604 = arith.index_cast %add3A_601 : i32 to index
      %get3A_605 = tpu.vector_load %arg4[%get3A_603, %get3A_604] {strides = array<i32>} : memref<4x8192xf32, #tpu.memory_space<vmem>>, vector<1x16xf32>,
      %get3A_606 = vector.shape_cast %get3A_605 : vector<1x16xf32> to vector<16xf32>
      %lt3A_607 = arith.cmpf olt, %get3A_606, %min3A_597 : vector<16xf32>
      %min3A_608 = arith.minimumf %min3A_597, %get3A_606 : vector<16xf32>
      %select_n3A_609 = arith.select %lt3A_607, %add3A_599, %select_n3A_598 : vector<16xi1>, vector<16xi32>
      %add3A_610 = arith.addi %add3A_599, %broadcast_in_dim3A_9 : vector<16xi32>
      %add3A_611 = arith.constant 96 : i32
      %add3A_612 = arith.addi %mul3A_546, %add3A_611 : i32
      %get3A_613 = arith.constant 1 : i32
      %get3A_614 = arith.index_cast %get3A_613 : i32 to index
      %get3A_615 = arith.index_cast %add3A_612 : i32 to index
      %get3A_616 = tpu.vector_load %arg4[%get3A_614, %get3A_615] {strides = array<i32>} : memref<4x8192xf32, #tpu.memory_space<vmem>>, vector<1x16xf32>,
      %get3A_617 = vector.shape_cast %get3A_616 : vector<1x16xf32> to vector<16xf32>
      %lt3A_618 = arith.cmpf olt, %get3A_617, %min3A_608 : vector<16xf32>
      %min3A_619 = arith.minimumf %min3A_608, %get3A_617 : vector<16xf32>
      %select_n3A_620 = arith.select %lt3A_618, %add3A_610, %select_n3A_609 : vector<16xi1>, vector<16xi32>
      %add3A_621 = arith.addi %add3A_610, %broadcast_in_dim3A_9 : vector<16xi32>
      %add3A_622 = arith.constant 112 : i32
      %add3A_623 = arith.addi %mul3A_546, %add3A_622 : i32
      %get3A_624 = arith.constant 1 : i32
      %get3A_625 = arith.index_cast %get3A_624 : i32 to index
      %get3A_626 = arith.index_cast %add3A_623 : i32 to index
      %get3A_627 = tpu.vector_load %arg4[%get3A_625, %get3A_626] {strides = array<i32>} : memref<4x8192xf32, #tpu.memory_space<vmem>>, vector<1x16xf32>,
      %get3A_628 = vector.shape_cast %get3A_627 : vector<1x16xf32> to vector<16xf32>
      %lt3A_629 = arith.cmpf olt, %get3A_628, %min3A_619 : vector<16xf32>
      %min3A_630 = arith.minimumf %min3A_619, %get3A_628 : vector<16xf32>
      %select_n3A_631 = arith.select %lt3A_629, %add3A_621, %select_n3A_620 : vector<16xi1>, vector<16xi32>
      %add3A_632 = arith.addi %add3A_621, %broadcast_in_dim3A_9 : vector<16xi32>
      %add3A_633 = arith.constant 128 : i32
      %add3A_634 = arith.addi %mul3A_546, %add3A_633 : i32
      %get3A_635 = arith.constant 1 : i32
      %get3A_636 = arith.index_cast %get3A_635 : i32 to index
      %get3A_637 = arith.index_cast %add3A_634 : i32 to index
      %get3A_638 = tpu.vector_load %arg4[%get3A_636, %get3A_637] {strides = array<i32>} : memref<4x8192xf32, #tpu.memory_space<vmem>>, vector<1x16xf32>,
      %get3A_639 = vector.shape_cast %get3A_638 : vector<1x16xf32> to vector<16xf32>
      %lt3A_640 = arith.cmpf olt, %get3A_639, %min3A_630 : vector<16xf32>
      %min3A_641 = arith.minimumf %min3A_630, %get3A_639 : vector<16xf32>
      %select_n3A_642 = arith.select %lt3A_640, %add3A_632, %select_n3A_631 : vector<16xi1>, vector<16xi32>
      %add3A_643 = arith.addi %add3A_632, %broadcast_in_dim3A_9 : vector<16xi32>
      %add3A_644 = arith.constant 144 : i32
      %add3A_645 = arith.addi %mul3A_546, %add3A_644 : i32
      %get3A_646 = arith.constant 1 : i32
      %get3A_647 = arith.index_cast %get3A_646 : i32 to index
      %get3A_648 = arith.index_cast %add3A_645 : i32 to index
      %get3A_649 = tpu.vector_load %arg4[%get3A_647, %get3A_648] {strides = array<i32>} : memref<4x8192xf32, #tpu.memory_space<vmem>>, vector<1x16xf32>,
      %get3A_650 = vector.shape_cast %get3A_649 : vector<1x16xf32> to vector<16xf32>
      %lt3A_651 = arith.cmpf olt, %get3A_650, %min3A_641 : vector<16xf32>
      %min3A_652 = arith.minimumf %min3A_641, %get3A_650 : vector<16xf32>
      %select_n3A_653 = arith.select %lt3A_651, %add3A_643, %select_n3A_642 : vector<16xi1>, vector<16xi32>
      %add3A_654 = arith.addi %add3A_643, %broadcast_in_dim3A_9 : vector<16xi32>
      %add3A_655 = arith.constant 160 : i32
      %add3A_656 = arith.addi %mul3A_546, %add3A_655 : i32
      %get3A_657 = arith.constant 1 : i32
      %get3A_658 = arith.index_cast %get3A_657 : i32 to index
      %get3A_659 = arith.index_cast %add3A_656 : i32 to index
      %get3A_660 = tpu.vector_load %arg4[%get3A_658, %get3A_659] {strides = array<i32>} : memref<4x8192xf32, #tpu.memory_space<vmem>>, vector<1x16xf32>,
      %get3A_661 = vector.shape_cast %get3A_660 : vector<1x16xf32> to vector<16xf32>
      %lt3A_662 = arith.cmpf olt, %get3A_661, %min3A_652 : vector<16xf32>
      %min3A_663 = arith.minimumf %min3A_652, %get3A_661 : vector<16xf32>
      %select_n3A_664 = arith.select %lt3A_662, %add3A_654, %select_n3A_653 : vector<16xi1>, vector<16xi32>
      %add3A_665 = arith.addi %add3A_654, %broadcast_in_dim3A_9 : vector<16xi32>
      %add3A_666 = arith.constant 176 : i32
      %add3A_667 = arith.addi %mul3A_546, %add3A_666 : i32
      %get3A_668 = arith.constant 1 : i32
      %get3A_669 = arith.index_cast %get3A_668 : i32 to index
      %get3A_670 = arith.index_cast %add3A_667 : i32 to index
      %get3A_671 = tpu.vector_load %arg4[%get3A_669, %get3A_670] {strides = array<i32>} : memref<4x8192xf32, #tpu.memory_space<vmem>>, vector<1x16xf32>,
      %get3A_672 = vector.shape_cast %get3A_671 : vector<1x16xf32> to vector<16xf32>
      %lt3A_673 = arith.cmpf olt, %get3A_672, %min3A_663 : vector<16xf32>
      %min3A_674 = arith.minimumf %min3A_663, %get3A_672 : vector<16xf32>
      %select_n3A_675 = arith.select %lt3A_673, %add3A_665, %select_n3A_664 : vector<16xi1>, vector<16xi32>
      %add3A_676 = arith.addi %add3A_665, %broadcast_in_dim3A_9 : vector<16xi32>
      %add3A_677 = arith.constant 192 : i32
      %add3A_678 = arith.addi %mul3A_546, %add3A_677 : i32
      %get3A_679 = arith.constant 1 : i32
      %get3A_680 = arith.index_cast %get3A_679 : i32 to index
      %get3A_681 = arith.index_cast %add3A_678 : i32 to index
      %get3A_682 = tpu.vector_load %arg4[%get3A_680, %get3A_681] {strides = array<i32>} : memref<4x8192xf32, #tpu.memory_space<vmem>>, vector<1x16xf32>,
      %get3A_683 = vector.shape_cast %get3A_682 : vector<1x16xf32> to vector<16xf32>
      %lt3A_684 = arith.cmpf olt, %get3A_683, %min3A_674 : vector<16xf32>
      %min3A_685 = arith.minimumf %min3A_674, %get3A_683 : vector<16xf32>
      %select_n3A_686 = arith.select %lt3A_684, %add3A_676, %select_n3A_675 : vector<16xi1>, vector<16xi32>
      %add3A_687 = arith.addi %add3A_676, %broadcast_in_dim3A_9 : vector<16xi32>
      %add3A_688 = arith.constant 208 : i32
      %add3A_689 = arith.addi %mul3A_546, %add3A_688 : i32
      %get3A_690 = arith.constant 1 : i32
      %get3A_691 = arith.index_cast %get3A_690 : i32 to index
      %get3A_692 = arith.index_cast %add3A_689 : i32 to index
      %get3A_693 = tpu.vector_load %arg4[%get3A_691, %get3A_692] {strides = array<i32>} : memref<4x8192xf32, #tpu.memory_space<vmem>>, vector<1x16xf32>,
      %get3A_694 = vector.shape_cast %get3A_693 : vector<1x16xf32> to vector<16xf32>
      %lt3A_695 = arith.cmpf olt, %get3A_694, %min3A_685 : vector<16xf32>
      %min3A_696 = arith.minimumf %min3A_685, %get3A_694 : vector<16xf32>
      %select_n3A_697 = arith.select %lt3A_695, %add3A_687, %select_n3A_686 : vector<16xi1>, vector<16xi32>
      %add3A_698 = arith.addi %add3A_687, %broadcast_in_dim3A_9 : vector<16xi32>
      %add3A_699 = arith.constant 224 : i32
      %add3A_700 = arith.addi %mul3A_546, %add3A_699 : i32
      %get3A_701 = arith.constant 1 : i32
      %get3A_702 = arith.index_cast %get3A_701 : i32 to index
      %get3A_703 = arith.index_cast %add3A_700 : i32 to index
      %get3A_704 = tpu.vector_load %arg4[%get3A_702, %get3A_703] {strides = array<i32>} : memref<4x8192xf32, #tpu.memory_space<vmem>>, vector<1x16xf32>,
      %get3A_705 = vector.shape_cast %get3A_704 : vector<1x16xf32> to vector<16xf32>
      %lt3A_706 = arith.cmpf olt, %get3A_705, %min3A_696 : vector<16xf32>
      %min3A_707 = arith.minimumf %min3A_696, %get3A_705 : vector<16xf32>
      %select_n3A_708 = arith.select %lt3A_706, %add3A_698, %select_n3A_697 : vector<16xi1>, vector<16xi32>
      %add3A_709 = arith.addi %add3A_698, %broadcast_in_dim3A_9 : vector<16xi32>
      %add3A_710 = arith.constant 240 : i32
      %add3A_711 = arith.addi %mul3A_546, %add3A_710 : i32
      %get3A_712 = arith.constant 1 : i32
      %get3A_713 = arith.index_cast %get3A_712 : i32 to index
      %get3A_714 = arith.index_cast %add3A_711 : i32 to index
      %get3A_715 = tpu.vector_load %arg4[%get3A_713, %get3A_714] {strides = array<i32>} : memref<4x8192xf32, #tpu.memory_space<vmem>>, vector<1x16xf32>,
      %get3A_716 = vector.shape_cast %get3A_715 : vector<1x16xf32> to vector<16xf32>
      %lt3A_717 = arith.cmpf olt, %get3A_716, %min3A_707 : vector<16xf32>
      %min3A_718 = arith.minimumf %min3A_707, %get3A_716 : vector<16xf32>
      %select_n3A_719 = arith.select %lt3A_717, %add3A_709, %select_n3A_708 : vector<16xi1>, vector<16xi32>
      %add3A_720 = arith.addi %add3A_709, %broadcast_in_dim3A_9 : vector<16xi32>
      scf.yield %min3A_718, %select_n3A_719, %add3A_720 : vector<16xf32>, vector<16xi32>, vector<16xi32>
    }
    %scan3A_141 = arith.constant 32 : i32
    %mul3A_142 = arith.constant 16 : i32
    %mul3A_143 = vector.broadcast %mul3A_142 : i32 to vector<16xi32>
    %mul3A_144 = arith.muli %scan3A_140#1, %mul3A_143 : vector<16xi32>
    %add3A_145 = arith.addi %mul3A_144, %iota3A : vector<16xi32>
    %xor3A_146 = arith.constant 8 : i32
    %xor3A_147 = vector.broadcast %xor3A_146 : i32 to vector<16xi32>
    %xor3A_148 = arith.xori %iota3A, %xor3A_147 : vector<16xi32>
    %lt3A_149 = arith.constant 0 : i32
    %lt3A_150 = vector.broadcast %lt3A_149 : i32 to vector<16xi32>
    %lt3A_151 = arith.cmpi slt, %xor3A_148, %lt3A_150 : vector<16xi32>
    %add3A_152 = arith.constant 16 : i32
    %add3A_153 = vector.broadcast %add3A_152 : i32 to vector<16xi32>
    %add3A_154 = arith.addi %xor3A_148, %add3A_153 : vector<16xi32>
    %select_n3A_155 = arith.select %lt3A_151, %add3A_154, %xor3A_148 : vector<16xi1>, vector<16xi32>
    %broadcast_in_dim3A_156 = vector.shape_cast %select_n3A_155 : vector<16xi32> to vector<16x1xi32>
    %gather3A_157 = vector.shape_cast %broadcast_in_dim3A_156 : vector<16x1xi32> to vector<16xi32>
    %gather3A_158 = tpu.dynamic_gather %scan3A_140#0[%gather3A_157] in [0] : vector<16xf32>, vector<16xi32> -> vector<16xf32>
    %lt3A_159 = arith.constant 0 : i32
    %lt3A_160 = vector.broadcast %lt3A_159 : i32 to vector<16xi32>
    %lt3A_161 = arith.cmpi slt, %xor3A_148, %lt3A_160 : vector<16xi32>
    %add3A_162 = arith.constant 16 : i32
    %add3A_163 = vector.broadcast %add3A_162 : i32 to vector<16xi32>
    %add3A_164 = arith.addi %xor3A_148, %add3A_163 : vector<16xi32>
    %select_n3A_165 = arith.select %lt3A_161, %add3A_164, %xor3A_148 : vector<16xi1>, vector<16xi32>
    %broadcast_in_dim3A_166 = vector.shape_cast %select_n3A_165 : vector<16xi32> to vector<16x1xi32>
    %gather3A_167 = vector.shape_cast %broadcast_in_dim3A_166 : vector<16x1xi32> to vector<16xi32>
    %gather3A_168 = tpu.dynamic_gather %add3A_145[%gather3A_167] in [0] : vector<16xi32>, vector<16xi32> -> vector<16xi32>
    %lt3A_169 = arith.cmpf olt, %gather3A_158, %scan3A_140#0 : vector<16xf32>
    %eq3A_170 = arith.cmpf oeq, %gather3A_158, %scan3A_140#0 : vector<16xf32>
    %lt3A_171 = arith.cmpi slt, %gather3A_168, %add3A_145 : vector<16xi32>
    %and3A_172 = arith.andi %eq3A_170, %lt3A_171 : vector<16xi1>
    %or3A_173 = arith.ori %lt3A_169, %and3A_172 : vector<16xi1>
    %select_n3A_174 = arith.select %or3A_173, %gather3A_158, %scan3A_140#0 : vector<16xi1>, vector<16xf32>
    %select_n3A_175 = arith.select %or3A_173, %gather3A_168, %add3A_145 : vector<16xi1>, vector<16xi32>
    %xor3A_176 = arith.constant 4 : i32
    %xor3A_177 = vector.broadcast %xor3A_176 : i32 to vector<16xi32>
    %xor3A_178 = arith.xori %iota3A, %xor3A_177 : vector<16xi32>
    %lt3A_179 = arith.constant 0 : i32
    %lt3A_180 = vector.broadcast %lt3A_179 : i32 to vector<16xi32>
    %lt3A_181 = arith.cmpi slt, %xor3A_178, %lt3A_180 : vector<16xi32>
    %add3A_182 = arith.constant 16 : i32
    %add3A_183 = vector.broadcast %add3A_182 : i32 to vector<16xi32>
    %add3A_184 = arith.addi %xor3A_178, %add3A_183 : vector<16xi32>
    %select_n3A_185 = arith.select %lt3A_181, %add3A_184, %xor3A_178 : vector<16xi1>, vector<16xi32>
    %broadcast_in_dim3A_186 = vector.shape_cast %select_n3A_185 : vector<16xi32> to vector<16x1xi32>
    %gather3A_187 = vector.shape_cast %broadcast_in_dim3A_186 : vector<16x1xi32> to vector<16xi32>
    %gather3A_188 = tpu.dynamic_gather %select_n3A_174[%gather3A_187] in [0] : vector<16xf32>, vector<16xi32> -> vector<16xf32>
    %lt3A_189 = arith.constant 0 : i32
    %lt3A_190 = vector.broadcast %lt3A_189 : i32 to vector<16xi32>
    %lt3A_191 = arith.cmpi slt, %xor3A_178, %lt3A_190 : vector<16xi32>
    %add3A_192 = arith.constant 16 : i32
    %add3A_193 = vector.broadcast %add3A_192 : i32 to vector<16xi32>
    %add3A_194 = arith.addi %xor3A_178, %add3A_193 : vector<16xi32>
    %select_n3A_195 = arith.select %lt3A_191, %add3A_194, %xor3A_178 : vector<16xi1>, vector<16xi32>
    %broadcast_in_dim3A_196 = vector.shape_cast %select_n3A_195 : vector<16xi32> to vector<16x1xi32>
    %gather3A_197 = vector.shape_cast %broadcast_in_dim3A_196 : vector<16x1xi32> to vector<16xi32>
    %gather3A_198 = tpu.dynamic_gather %select_n3A_175[%gather3A_197] in [0] : vector<16xi32>, vector<16xi32> -> vector<16xi32>
    %lt3A_199 = arith.cmpf olt, %gather3A_188, %select_n3A_174 : vector<16xf32>
    %eq3A_200 = arith.cmpf oeq, %gather3A_188, %select_n3A_174 : vector<16xf32>
    %lt3A_201 = arith.cmpi slt, %gather3A_198, %select_n3A_175 : vector<16xi32>
    %and3A_202 = arith.andi %eq3A_200, %lt3A_201 : vector<16xi1>
    %or3A_203 = arith.ori %lt3A_199, %and3A_202 : vector<16xi1>
    %select_n3A_204 = arith.select %or3A_203, %gather3A_188, %select_n3A_174 : vector<16xi1>, vector<16xf32>
    %select_n3A_205 = arith.select %or3A_203, %gather3A_198, %select_n3A_175 : vector<16xi1>, vector<16xi32>
    %xor3A_206 = arith.constant 2 : i32
    %xor3A_207 = vector.broadcast %xor3A_206 : i32 to vector<16xi32>
    %xor3A_208 = arith.xori %iota3A, %xor3A_207 : vector<16xi32>
    %lt3A_209 = arith.constant 0 : i32
    %lt3A_210 = vector.broadcast %lt3A_209 : i32 to vector<16xi32>
    %lt3A_211 = arith.cmpi slt, %xor3A_208, %lt3A_210 : vector<16xi32>
    %add3A_212 = arith.constant 16 : i32
    %add3A_213 = vector.broadcast %add3A_212 : i32 to vector<16xi32>
    %add3A_214 = arith.addi %xor3A_208, %add3A_213 : vector<16xi32>
    %select_n3A_215 = arith.select %lt3A_211, %add3A_214, %xor3A_208 : vector<16xi1>, vector<16xi32>
    %broadcast_in_dim3A_216 = vector.shape_cast %select_n3A_215 : vector<16xi32> to vector<16x1xi32>
    %gather3A_217 = vector.shape_cast %broadcast_in_dim3A_216 : vector<16x1xi32> to vector<16xi32>
    %gather3A_218 = tpu.dynamic_gather %select_n3A_204[%gather3A_217] in [0] : vector<16xf32>, vector<16xi32> -> vector<16xf32>
    %lt3A_219 = arith.constant 0 : i32
    %lt3A_220 = vector.broadcast %lt3A_219 : i32 to vector<16xi32>
    %lt3A_221 = arith.cmpi slt, %xor3A_208, %lt3A_220 : vector<16xi32>
    %add3A_222 = arith.constant 16 : i32
    %add3A_223 = vector.broadcast %add3A_222 : i32 to vector<16xi32>
    %add3A_224 = arith.addi %xor3A_208, %add3A_223 : vector<16xi32>
    %select_n3A_225 = arith.select %lt3A_221, %add3A_224, %xor3A_208 : vector<16xi1>, vector<16xi32>
    %broadcast_in_dim3A_226 = vector.shape_cast %select_n3A_225 : vector<16xi32> to vector<16x1xi32>
    %gather3A_227 = vector.shape_cast %broadcast_in_dim3A_226 : vector<16x1xi32> to vector<16xi32>
    %gather3A_228 = tpu.dynamic_gather %select_n3A_205[%gather3A_227] in [0] : vector<16xi32>, vector<16xi32> -> vector<16xi32>
    %lt3A_229 = arith.cmpf olt, %gather3A_218, %select_n3A_204 : vector<16xf32>
    %eq3A_230 = arith.cmpf oeq, %gather3A_218, %select_n3A_204 : vector<16xf32>
    %lt3A_231 = arith.cmpi slt, %gather3A_228, %select_n3A_205 : vector<16xi32>
    %and3A_232 = arith.andi %eq3A_230, %lt3A_231 : vector<16xi1>
    %or3A_233 = arith.ori %lt3A_229, %and3A_232 : vector<16xi1>
    %select_n3A_234 = arith.select %or3A_233, %gather3A_218, %select_n3A_204 : vector<16xi1>, vector<16xf32>
    %select_n3A_235 = arith.select %or3A_233, %gather3A_228, %select_n3A_205 : vector<16xi1>, vector<16xi32>
    %xor3A_236 = arith.constant 1 : i32
    %xor3A_237 = vector.broadcast %xor3A_236 : i32 to vector<16xi32>
    %xor3A_238 = arith.xori %iota3A, %xor3A_237 : vector<16xi32>
    %lt3A_239 = arith.constant 0 : i32
    %lt3A_240 = vector.broadcast %lt3A_239 : i32 to vector<16xi32>
    %lt3A_241 = arith.cmpi slt, %xor3A_238, %lt3A_240 : vector<16xi32>
    %add3A_242 = arith.constant 16 : i32
    %add3A_243 = vector.broadcast %add3A_242 : i32 to vector<16xi32>
    %add3A_244 = arith.addi %xor3A_238, %add3A_243 : vector<16xi32>
    %select_n3A_245 = arith.select %lt3A_241, %add3A_244, %xor3A_238 : vector<16xi1>, vector<16xi32>
    %broadcast_in_dim3A_246 = vector.shape_cast %select_n3A_245 : vector<16xi32> to vector<16x1xi32>
    %gather3A_247 = vector.shape_cast %broadcast_in_dim3A_246 : vector<16x1xi32> to vector<16xi32>
    %gather3A_248 = tpu.dynamic_gather %select_n3A_234[%gather3A_247] in [0] : vector<16xf32>, vector<16xi32> -> vector<16xf32>
    %lt3A_249 = arith.constant 0 : i32
    %lt3A_250 = vector.broadcast %lt3A_249 : i32 to vector<16xi32>
    %lt3A_251 = arith.cmpi slt, %xor3A_238, %lt3A_250 : vector<16xi32>
    %add3A_252 = arith.constant 16 : i32
    %add3A_253 = vector.broadcast %add3A_252 : i32 to vector<16xi32>
    %add3A_254 = arith.addi %xor3A_238, %add3A_253 : vector<16xi32>
    %select_n3A_255 = arith.select %lt3A_251, %add3A_254, %xor3A_238 : vector<16xi1>, vector<16xi32>
    %broadcast_in_dim3A_256 = vector.shape_cast %select_n3A_255 : vector<16xi32> to vector<16x1xi32>
    %gather3A_257 = vector.shape_cast %broadcast_in_dim3A_256 : vector<16x1xi32> to vector<16xi32>
    %gather3A_258 = tpu.dynamic_gather %select_n3A_235[%gather3A_257] in [0] : vector<16xi32>, vector<16xi32> -> vector<16xi32>
    %lt3A_259 = arith.cmpf olt, %gather3A_248, %select_n3A_234 : vector<16xf32>
    %eq3A_260 = arith.cmpf oeq, %gather3A_248, %select_n3A_234 : vector<16xf32>
    %lt3A_261 = arith.cmpi slt, %gather3A_258, %select_n3A_235 : vector<16xi32>
    %and3A_262 = arith.andi %eq3A_260, %lt3A_261 : vector<16xi1>
    %or3A_263 = arith.ori %lt3A_259, %and3A_262 : vector<16xi1>
    %select_n3A_264 = arith.select %or3A_263, %gather3A_248, %select_n3A_234 : vector<16xi1>, vector<16xf32>
    %select_n3A_265 = arith.select %or3A_263, %gather3A_258, %select_n3A_235 : vector<16xi1>, vector<16xi32>
    %eq3A_266 = arith.constant 1 : i32
    %eq3A_267 = vector.broadcast %eq3A_266 : i32 to vector<16xi32>
    %eq3A_268 = arith.cmpi eq, %iota3A, %eq3A_267 : vector<16xi32>
    %select_n3A_269 = arith.select %eq3A_268, %select_n3A_265, %select_n3A_135 : vector<16xi1>, vector<16xi32>
    %scan3A_270 = arith.constant 0 : i32
    %scan3A_271 = arith.constant 32 : i32
    %scan3A_272 = arith.addi %scan3A_270, %scan3A_271 : i32
    %scan3A_273 = arith.constant 1 : i32
    %scan3A_274:3 = scf.for %scan3A_541 = %scan3A_270 to %scan3A_272 step %scan3A_273 iter_args(%scan3A_542 = %broadcast_in_dim3A_5, %scan3A_543 = %broadcast_in_dim3A_7, %scan3A_544 = %broadcast_in_dim3A_7) -> (vector<16xf32>, vector<16xi32>, vector<16xi32>)  : i32 {
      %mul3A_545 = arith.constant 256 : i32
      %mul3A_546 = arith.muli %scan3A_541, %mul3A_545 : i32
      %add3A_547 = arith.constant 0 : i32
      %add3A_548 = arith.addi %mul3A_546, %add3A_547 : i32
      %get3A = arith.constant 2 : i32
      %get3A_549 = arith.index_cast %get3A : i32 to index
      %get3A_550 = arith.index_cast %add3A_548 : i32 to index
      %get3A_551 = tpu.vector_load %arg4[%get3A_549, %get3A_550] {strides = array<i32>} : memref<4x8192xf32, #tpu.memory_space<vmem>>, vector<1x16xf32>,
      %get3A_552 = vector.shape_cast %get3A_551 : vector<1x16xf32> to vector<16xf32>
      %lt3A_553 = arith.cmpf olt, %get3A_552, %scan3A_542 : vector<16xf32>
      %min3A = arith.minimumf %scan3A_542, %get3A_552 : vector<16xf32>
      %select_n3A_554 = arith.select %lt3A_553, %scan3A_544, %scan3A_543 : vector<16xi1>, vector<16xi32>
      %add3A_555 = arith.addi %scan3A_544, %broadcast_in_dim3A_9 : vector<16xi32>
      %add3A_556 = arith.constant 16 : i32
      %add3A_557 = arith.addi %mul3A_546, %add3A_556 : i32
      %get3A_558 = arith.constant 2 : i32
      %get3A_559 = arith.index_cast %get3A_558 : i32 to index
      %get3A_560 = arith.index_cast %add3A_557 : i32 to index
      %get3A_561 = tpu.vector_load %arg4[%get3A_559, %get3A_560] {strides = array<i32>} : memref<4x8192xf32, #tpu.memory_space<vmem>>, vector<1x16xf32>,
      %get3A_562 = vector.shape_cast %get3A_561 : vector<1x16xf32> to vector<16xf32>
      %lt3A_563 = arith.cmpf olt, %get3A_562, %min3A : vector<16xf32>
      %min3A_564 = arith.minimumf %min3A, %get3A_562 : vector<16xf32>
      %select_n3A_565 = arith.select %lt3A_563, %add3A_555, %select_n3A_554 : vector<16xi1>, vector<16xi32>
      %add3A_566 = arith.addi %add3A_555, %broadcast_in_dim3A_9 : vector<16xi32>
      %add3A_567 = arith.constant 32 : i32
      %add3A_568 = arith.addi %mul3A_546, %add3A_567 : i32
      %get3A_569 = arith.constant 2 : i32
      %get3A_570 = arith.index_cast %get3A_569 : i32 to index
      %get3A_571 = arith.index_cast %add3A_568 : i32 to index
      %get3A_572 = tpu.vector_load %arg4[%get3A_570, %get3A_571] {strides = array<i32>} : memref<4x8192xf32, #tpu.memory_space<vmem>>, vector<1x16xf32>,
      %get3A_573 = vector.shape_cast %get3A_572 : vector<1x16xf32> to vector<16xf32>
      %lt3A_574 = arith.cmpf olt, %get3A_573, %min3A_564 : vector<16xf32>
      %min3A_575 = arith.minimumf %min3A_564, %get3A_573 : vector<16xf32>
      %select_n3A_576 = arith.select %lt3A_574, %add3A_566, %select_n3A_565 : vector<16xi1>, vector<16xi32>
      %add3A_577 = arith.addi %add3A_566, %broadcast_in_dim3A_9 : vector<16xi32>
      %add3A_578 = arith.constant 48 : i32
      %add3A_579 = arith.addi %mul3A_546, %add3A_578 : i32
      %get3A_580 = arith.constant 2 : i32
      %get3A_581 = arith.index_cast %get3A_580 : i32 to index
      %get3A_582 = arith.index_cast %add3A_579 : i32 to index
      %get3A_583 = tpu.vector_load %arg4[%get3A_581, %get3A_582] {strides = array<i32>} : memref<4x8192xf32, #tpu.memory_space<vmem>>, vector<1x16xf32>,
      %get3A_584 = vector.shape_cast %get3A_583 : vector<1x16xf32> to vector<16xf32>
      %lt3A_585 = arith.cmpf olt, %get3A_584, %min3A_575 : vector<16xf32>
      %min3A_586 = arith.minimumf %min3A_575, %get3A_584 : vector<16xf32>
      %select_n3A_587 = arith.select %lt3A_585, %add3A_577, %select_n3A_576 : vector<16xi1>, vector<16xi32>
      %add3A_588 = arith.addi %add3A_577, %broadcast_in_dim3A_9 : vector<16xi32>
      %add3A_589 = arith.constant 64 : i32
      %add3A_590 = arith.addi %mul3A_546, %add3A_589 : i32
      %get3A_591 = arith.constant 2 : i32
      %get3A_592 = arith.index_cast %get3A_591 : i32 to index
      %get3A_593 = arith.index_cast %add3A_590 : i32 to index
      %get3A_594 = tpu.vector_load %arg4[%get3A_592, %get3A_593] {strides = array<i32>} : memref<4x8192xf32, #tpu.memory_space<vmem>>, vector<1x16xf32>,
      %get3A_595 = vector.shape_cast %get3A_594 : vector<1x16xf32> to vector<16xf32>
      %lt3A_596 = arith.cmpf olt, %get3A_595, %min3A_586 : vector<16xf32>
      %min3A_597 = arith.minimumf %min3A_586, %get3A_595 : vector<16xf32>
      %select_n3A_598 = arith.select %lt3A_596, %add3A_588, %select_n3A_587 : vector<16xi1>, vector<16xi32>
      %add3A_599 = arith.addi %add3A_588, %broadcast_in_dim3A_9 : vector<16xi32>
      %add3A_600 = arith.constant 80 : i32
      %add3A_601 = arith.addi %mul3A_546, %add3A_600 : i32
      %get3A_602 = arith.constant 2 : i32
      %get3A_603 = arith.index_cast %get3A_602 : i32 to index
      %get3A_604 = arith.index_cast %add3A_601 : i32 to index
      %get3A_605 = tpu.vector_load %arg4[%get3A_603, %get3A_604] {strides = array<i32>} : memref<4x8192xf32, #tpu.memory_space<vmem>>, vector<1x16xf32>,
      %get3A_606 = vector.shape_cast %get3A_605 : vector<1x16xf32> to vector<16xf32>
      %lt3A_607 = arith.cmpf olt, %get3A_606, %min3A_597 : vector<16xf32>
      %min3A_608 = arith.minimumf %min3A_597, %get3A_606 : vector<16xf32>
      %select_n3A_609 = arith.select %lt3A_607, %add3A_599, %select_n3A_598 : vector<16xi1>, vector<16xi32>
      %add3A_610 = arith.addi %add3A_599, %broadcast_in_dim3A_9 : vector<16xi32>
      %add3A_611 = arith.constant 96 : i32
      %add3A_612 = arith.addi %mul3A_546, %add3A_611 : i32
      %get3A_613 = arith.constant 2 : i32
      %get3A_614 = arith.index_cast %get3A_613 : i32 to index
      %get3A_615 = arith.index_cast %add3A_612 : i32 to index
      %get3A_616 = tpu.vector_load %arg4[%get3A_614, %get3A_615] {strides = array<i32>} : memref<4x8192xf32, #tpu.memory_space<vmem>>, vector<1x16xf32>,
      %get3A_617 = vector.shape_cast %get3A_616 : vector<1x16xf32> to vector<16xf32>
      %lt3A_618 = arith.cmpf olt, %get3A_617, %min3A_608 : vector<16xf32>
      %min3A_619 = arith.minimumf %min3A_608, %get3A_617 : vector<16xf32>
      %select_n3A_620 = arith.select %lt3A_618, %add3A_610, %select_n3A_609 : vector<16xi1>, vector<16xi32>
      %add3A_621 = arith.addi %add3A_610, %broadcast_in_dim3A_9 : vector<16xi32>
      %add3A_622 = arith.constant 112 : i32
      %add3A_623 = arith.addi %mul3A_546, %add3A_622 : i32
      %get3A_624 = arith.constant 2 : i32
      %get3A_625 = arith.index_cast %get3A_624 : i32 to index
      %get3A_626 = arith.index_cast %add3A_623 : i32 to index
      %get3A_627 = tpu.vector_load %arg4[%get3A_625, %get3A_626] {strides = array<i32>} : memref<4x8192xf32, #tpu.memory_space<vmem>>, vector<1x16xf32>,
      %get3A_628 = vector.shape_cast %get3A_627 : vector<1x16xf32> to vector<16xf32>
      %lt3A_629 = arith.cmpf olt, %get3A_628, %min3A_619 : vector<16xf32>
      %min3A_630 = arith.minimumf %min3A_619, %get3A_628 : vector<16xf32>
      %select_n3A_631 = arith.select %lt3A_629, %add3A_621, %select_n3A_620 : vector<16xi1>, vector<16xi32>
      %add3A_632 = arith.addi %add3A_621, %broadcast_in_dim3A_9 : vector<16xi32>
      %add3A_633 = arith.constant 128 : i32
      %add3A_634 = arith.addi %mul3A_546, %add3A_633 : i32
      %get3A_635 = arith.constant 2 : i32
      %get3A_636 = arith.index_cast %get3A_635 : i32 to index
      %get3A_637 = arith.index_cast %add3A_634 : i32 to index
      %get3A_638 = tpu.vector_load %arg4[%get3A_636, %get3A_637] {strides = array<i32>} : memref<4x8192xf32, #tpu.memory_space<vmem>>, vector<1x16xf32>,
      %get3A_639 = vector.shape_cast %get3A_638 : vector<1x16xf32> to vector<16xf32>
      %lt3A_640 = arith.cmpf olt, %get3A_639, %min3A_630 : vector<16xf32>
      %min3A_641 = arith.minimumf %min3A_630, %get3A_639 : vector<16xf32>
      %select_n3A_642 = arith.select %lt3A_640, %add3A_632, %select_n3A_631 : vector<16xi1>, vector<16xi32>
      %add3A_643 = arith.addi %add3A_632, %broadcast_in_dim3A_9 : vector<16xi32>
      %add3A_644 = arith.constant 144 : i32
      %add3A_645 = arith.addi %mul3A_546, %add3A_644 : i32
      %get3A_646 = arith.constant 2 : i32
      %get3A_647 = arith.index_cast %get3A_646 : i32 to index
      %get3A_648 = arith.index_cast %add3A_645 : i32 to index
      %get3A_649 = tpu.vector_load %arg4[%get3A_647, %get3A_648] {strides = array<i32>} : memref<4x8192xf32, #tpu.memory_space<vmem>>, vector<1x16xf32>,
      %get3A_650 = vector.shape_cast %get3A_649 : vector<1x16xf32> to vector<16xf32>
      %lt3A_651 = arith.cmpf olt, %get3A_650, %min3A_641 : vector<16xf32>
      %min3A_652 = arith.minimumf %min3A_641, %get3A_650 : vector<16xf32>
      %select_n3A_653 = arith.select %lt3A_651, %add3A_643, %select_n3A_642 : vector<16xi1>, vector<16xi32>
      %add3A_654 = arith.addi %add3A_643, %broadcast_in_dim3A_9 : vector<16xi32>
      %add3A_655 = arith.constant 160 : i32
      %add3A_656 = arith.addi %mul3A_546, %add3A_655 : i32
      %get3A_657 = arith.constant 2 : i32
      %get3A_658 = arith.index_cast %get3A_657 : i32 to index
      %get3A_659 = arith.index_cast %add3A_656 : i32 to index
      %get3A_660 = tpu.vector_load %arg4[%get3A_658, %get3A_659] {strides = array<i32>} : memref<4x8192xf32, #tpu.memory_space<vmem>>, vector<1x16xf32>,
      %get3A_661 = vector.shape_cast %get3A_660 : vector<1x16xf32> to vector<16xf32>
      %lt3A_662 = arith.cmpf olt, %get3A_661, %min3A_652 : vector<16xf32>
      %min3A_663 = arith.minimumf %min3A_652, %get3A_661 : vector<16xf32>
      %select_n3A_664 = arith.select %lt3A_662, %add3A_654, %select_n3A_653 : vector<16xi1>, vector<16xi32>
      %add3A_665 = arith.addi %add3A_654, %broadcast_in_dim3A_9 : vector<16xi32>
      %add3A_666 = arith.constant 176 : i32
      %add3A_667 = arith.addi %mul3A_546, %add3A_666 : i32
      %get3A_668 = arith.constant 2 : i32
      %get3A_669 = arith.index_cast %get3A_668 : i32 to index
      %get3A_670 = arith.index_cast %add3A_667 : i32 to index
      %get3A_671 = tpu.vector_load %arg4[%get3A_669, %get3A_670] {strides = array<i32>} : memref<4x8192xf32, #tpu.memory_space<vmem>>, vector<1x16xf32>,
      %get3A_672 = vector.shape_cast %get3A_671 : vector<1x16xf32> to vector<16xf32>
      %lt3A_673 = arith.cmpf olt, %get3A_672, %min3A_663 : vector<16xf32>
      %min3A_674 = arith.minimumf %min3A_663, %get3A_672 : vector<16xf32>
      %select_n3A_675 = arith.select %lt3A_673, %add3A_665, %select_n3A_664 : vector<16xi1>, vector<16xi32>
      %add3A_676 = arith.addi %add3A_665, %broadcast_in_dim3A_9 : vector<16xi32>
      %add3A_677 = arith.constant 192 : i32
      %add3A_678 = arith.addi %mul3A_546, %add3A_677 : i32
      %get3A_679 = arith.constant 2 : i32
      %get3A_680 = arith.index_cast %get3A_679 : i32 to index
      %get3A_681 = arith.index_cast %add3A_678 : i32 to index
      %get3A_682 = tpu.vector_load %arg4[%get3A_680, %get3A_681] {strides = array<i32>} : memref<4x8192xf32, #tpu.memory_space<vmem>>, vector<1x16xf32>,
      %get3A_683 = vector.shape_cast %get3A_682 : vector<1x16xf32> to vector<16xf32>
      %lt3A_684 = arith.cmpf olt, %get3A_683, %min3A_674 : vector<16xf32>
      %min3A_685 = arith.minimumf %min3A_674, %get3A_683 : vector<16xf32>
      %select_n3A_686 = arith.select %lt3A_684, %add3A_676, %select_n3A_675 : vector<16xi1>, vector<16xi32>
      %add3A_687 = arith.addi %add3A_676, %broadcast_in_dim3A_9 : vector<16xi32>
      %add3A_688 = arith.constant 208 : i32
      %add3A_689 = arith.addi %mul3A_546, %add3A_688 : i32
      %get3A_690 = arith.constant 2 : i32
      %get3A_691 = arith.index_cast %get3A_690 : i32 to index
      %get3A_692 = arith.index_cast %add3A_689 : i32 to index
      %get3A_693 = tpu.vector_load %arg4[%get3A_691, %get3A_692] {strides = array<i32>} : memref<4x8192xf32, #tpu.memory_space<vmem>>, vector<1x16xf32>,
      %get3A_694 = vector.shape_cast %get3A_693 : vector<1x16xf32> to vector<16xf32>
      %lt3A_695 = arith.cmpf olt, %get3A_694, %min3A_685 : vector<16xf32>
      %min3A_696 = arith.minimumf %min3A_685, %get3A_694 : vector<16xf32>
      %select_n3A_697 = arith.select %lt3A_695, %add3A_687, %select_n3A_686 : vector<16xi1>, vector<16xi32>
      %add3A_698 = arith.addi %add3A_687, %broadcast_in_dim3A_9 : vector<16xi32>
      %add3A_699 = arith.constant 224 : i32
      %add3A_700 = arith.addi %mul3A_546, %add3A_699 : i32
      %get3A_701 = arith.constant 2 : i32
      %get3A_702 = arith.index_cast %get3A_701 : i32 to index
      %get3A_703 = arith.index_cast %add3A_700 : i32 to index
      %get3A_704 = tpu.vector_load %arg4[%get3A_702, %get3A_703] {strides = array<i32>} : memref<4x8192xf32, #tpu.memory_space<vmem>>, vector<1x16xf32>,
      %get3A_705 = vector.shape_cast %get3A_704 : vector<1x16xf32> to vector<16xf32>
      %lt3A_706 = arith.cmpf olt, %get3A_705, %min3A_696 : vector<16xf32>
      %min3A_707 = arith.minimumf %min3A_696, %get3A_705 : vector<16xf32>
      %select_n3A_708 = arith.select %lt3A_706, %add3A_698, %select_n3A_697 : vector<16xi1>, vector<16xi32>
      %add3A_709 = arith.addi %add3A_698, %broadcast_in_dim3A_9 : vector<16xi32>
      %add3A_710 = arith.constant 240 : i32
      %add3A_711 = arith.addi %mul3A_546, %add3A_710 : i32
      %get3A_712 = arith.constant 2 : i32
      %get3A_713 = arith.index_cast %get3A_712 : i32 to index
      %get3A_714 = arith.index_cast %add3A_711 : i32 to index
      %get3A_715 = tpu.vector_load %arg4[%get3A_713, %get3A_714] {strides = array<i32>} : memref<4x8192xf32, #tpu.memory_space<vmem>>, vector<1x16xf32>,
      %get3A_716 = vector.shape_cast %get3A_715 : vector<1x16xf32> to vector<16xf32>
      %lt3A_717 = arith.cmpf olt, %get3A_716, %min3A_707 : vector<16xf32>
      %min3A_718 = arith.minimumf %min3A_707, %get3A_716 : vector<16xf32>
      %select_n3A_719 = arith.select %lt3A_717, %add3A_709, %select_n3A_708 : vector<16xi1>, vector<16xi32>
      %add3A_720 = arith.addi %add3A_709, %broadcast_in_dim3A_9 : vector<16xi32>
      scf.yield %min3A_718, %select_n3A_719, %add3A_720 : vector<16xf32>, vector<16xi32>, vector<16xi32>
    }
    %scan3A_275 = arith.constant 32 : i32
    %mul3A_276 = arith.constant 16 : i32
    %mul3A_277 = vector.broadcast %mul3A_276 : i32 to vector<16xi32>
    %mul3A_278 = arith.muli %scan3A_274#1, %mul3A_277 : vector<16xi32>
    %add3A_279 = arith.addi %mul3A_278, %iota3A : vector<16xi32>
    %xor3A_280 = arith.constant 8 : i32
    %xor3A_281 = vector.broadcast %xor3A_280 : i32 to vector<16xi32>
    %xor3A_282 = arith.xori %iota3A, %xor3A_281 : vector<16xi32>
    %lt3A_283 = arith.constant 0 : i32
    %lt3A_284 = vector.broadcast %lt3A_283 : i32 to vector<16xi32>
    %lt3A_285 = arith.cmpi slt, %xor3A_282, %lt3A_284 : vector<16xi32>
    %add3A_286 = arith.constant 16 : i32
    %add3A_287 = vector.broadcast %add3A_286 : i32 to vector<16xi32>
    %add3A_288 = arith.addi %xor3A_282, %add3A_287 : vector<16xi32>
    %select_n3A_289 = arith.select %lt3A_285, %add3A_288, %xor3A_282 : vector<16xi1>, vector<16xi32>
    %broadcast_in_dim3A_290 = vector.shape_cast %select_n3A_289 : vector<16xi32> to vector<16x1xi32>
    %gather3A_291 = vector.shape_cast %broadcast_in_dim3A_290 : vector<16x1xi32> to vector<16xi32>
    %gather3A_292 = tpu.dynamic_gather %scan3A_274#0[%gather3A_291] in [0] : vector<16xf32>, vector<16xi32> -> vector<16xf32>
    %lt3A_293 = arith.constant 0 : i32
    %lt3A_294 = vector.broadcast %lt3A_293 : i32 to vector<16xi32>
    %lt3A_295 = arith.cmpi slt, %xor3A_282, %lt3A_294 : vector<16xi32>
    %add3A_296 = arith.constant 16 : i32
    %add3A_297 = vector.broadcast %add3A_296 : i32 to vector<16xi32>
    %add3A_298 = arith.addi %xor3A_282, %add3A_297 : vector<16xi32>
    %select_n3A_299 = arith.select %lt3A_295, %add3A_298, %xor3A_282 : vector<16xi1>, vector<16xi32>
    %broadcast_in_dim3A_300 = vector.shape_cast %select_n3A_299 : vector<16xi32> to vector<16x1xi32>
    %gather3A_301 = vector.shape_cast %broadcast_in_dim3A_300 : vector<16x1xi32> to vector<16xi32>
    %gather3A_302 = tpu.dynamic_gather %add3A_279[%gather3A_301] in [0] : vector<16xi32>, vector<16xi32> -> vector<16xi32>
    %lt3A_303 = arith.cmpf olt, %gather3A_292, %scan3A_274#0 : vector<16xf32>
    %eq3A_304 = arith.cmpf oeq, %gather3A_292, %scan3A_274#0 : vector<16xf32>
    %lt3A_305 = arith.cmpi slt, %gather3A_302, %add3A_279 : vector<16xi32>
    %and3A_306 = arith.andi %eq3A_304, %lt3A_305 : vector<16xi1>
    %or3A_307 = arith.ori %lt3A_303, %and3A_306 : vector<16xi1>
    %select_n3A_308 = arith.select %or3A_307, %gather3A_292, %scan3A_274#0 : vector<16xi1>, vector<16xf32>
    %select_n3A_309 = arith.select %or3A_307, %gather3A_302, %add3A_279 : vector<16xi1>, vector<16xi32>
    %xor3A_310 = arith.constant 4 : i32
    %xor3A_311 = vector.broadcast %xor3A_310 : i32 to vector<16xi32>
    %xor3A_312 = arith.xori %iota3A, %xor3A_311 : vector<16xi32>
    %lt3A_313 = arith.constant 0 : i32
    %lt3A_314 = vector.broadcast %lt3A_313 : i32 to vector<16xi32>
    %lt3A_315 = arith.cmpi slt, %xor3A_312, %lt3A_314 : vector<16xi32>
    %add3A_316 = arith.constant 16 : i32
    %add3A_317 = vector.broadcast %add3A_316 : i32 to vector<16xi32>
    %add3A_318 = arith.addi %xor3A_312, %add3A_317 : vector<16xi32>
    %select_n3A_319 = arith.select %lt3A_315, %add3A_318, %xor3A_312 : vector<16xi1>, vector<16xi32>
    %broadcast_in_dim3A_320 = vector.shape_cast %select_n3A_319 : vector<16xi32> to vector<16x1xi32>
    %gather3A_321 = vector.shape_cast %broadcast_in_dim3A_320 : vector<16x1xi32> to vector<16xi32>
    %gather3A_322 = tpu.dynamic_gather %select_n3A_308[%gather3A_321] in [0] : vector<16xf32>, vector<16xi32> -> vector<16xf32>
    %lt3A_323 = arith.constant 0 : i32
    %lt3A_324 = vector.broadcast %lt3A_323 : i32 to vector<16xi32>
    %lt3A_325 = arith.cmpi slt, %xor3A_312, %lt3A_324 : vector<16xi32>
    %add3A_326 = arith.constant 16 : i32
    %add3A_327 = vector.broadcast %add3A_326 : i32 to vector<16xi32>
    %add3A_328 = arith.addi %xor3A_312, %add3A_327 : vector<16xi32>
    %select_n3A_329 = arith.select %lt3A_325, %add3A_328, %xor3A_312 : vector<16xi1>, vector<16xi32>
    %broadcast_in_dim3A_330 = vector.shape_cast %select_n3A_329 : vector<16xi32> to vector<16x1xi32>
    %gather3A_331 = vector.shape_cast %broadcast_in_dim3A_330 : vector<16x1xi32> to vector<16xi32>
    %gather3A_332 = tpu.dynamic_gather %select_n3A_309[%gather3A_331] in [0] : vector<16xi32>, vector<16xi32> -> vector<16xi32>
    %lt3A_333 = arith.cmpf olt, %gather3A_322, %select_n3A_308 : vector<16xf32>
    %eq3A_334 = arith.cmpf oeq, %gather3A_322, %select_n3A_308 : vector<16xf32>
    %lt3A_335 = arith.cmpi slt, %gather3A_332, %select_n3A_309 : vector<16xi32>
    %and3A_336 = arith.andi %eq3A_334, %lt3A_335 : vector<16xi1>
    %or3A_337 = arith.ori %lt3A_333, %and3A_336 : vector<16xi1>
    %select_n3A_338 = arith.select %or3A_337, %gather3A_322, %select_n3A_308 : vector<16xi1>, vector<16xf32>
    %select_n3A_339 = arith.select %or3A_337, %gather3A_332, %select_n3A_309 : vector<16xi1>, vector<16xi32>
    %xor3A_340 = arith.constant 2 : i32
    %xor3A_341 = vector.broadcast %xor3A_340 : i32 to vector<16xi32>
    %xor3A_342 = arith.xori %iota3A, %xor3A_341 : vector<16xi32>
    %lt3A_343 = arith.constant 0 : i32
    %lt3A_344 = vector.broadcast %lt3A_343 : i32 to vector<16xi32>
    %lt3A_345 = arith.cmpi slt, %xor3A_342, %lt3A_344 : vector<16xi32>
    %add3A_346 = arith.constant 16 : i32
    %add3A_347 = vector.broadcast %add3A_346 : i32 to vector<16xi32>
    %add3A_348 = arith.addi %xor3A_342, %add3A_347 : vector<16xi32>
    %select_n3A_349 = arith.select %lt3A_345, %add3A_348, %xor3A_342 : vector<16xi1>, vector<16xi32>
    %broadcast_in_dim3A_350 = vector.shape_cast %select_n3A_349 : vector<16xi32> to vector<16x1xi32>
    %gather3A_351 = vector.shape_cast %broadcast_in_dim3A_350 : vector<16x1xi32> to vector<16xi32>
    %gather3A_352 = tpu.dynamic_gather %select_n3A_338[%gather3A_351] in [0] : vector<16xf32>, vector<16xi32> -> vector<16xf32>
    %lt3A_353 = arith.constant 0 : i32
    %lt3A_354 = vector.broadcast %lt3A_353 : i32 to vector<16xi32>
    %lt3A_355 = arith.cmpi slt, %xor3A_342, %lt3A_354 : vector<16xi32>
    %add3A_356 = arith.constant 16 : i32
    %add3A_357 = vector.broadcast %add3A_356 : i32 to vector<16xi32>
    %add3A_358 = arith.addi %xor3A_342, %add3A_357 : vector<16xi32>
    %select_n3A_359 = arith.select %lt3A_355, %add3A_358, %xor3A_342 : vector<16xi1>, vector<16xi32>
    %broadcast_in_dim3A_360 = vector.shape_cast %select_n3A_359 : vector<16xi32> to vector<16x1xi32>
    %gather3A_361 = vector.shape_cast %broadcast_in_dim3A_360 : vector<16x1xi32> to vector<16xi32>
    %gather3A_362 = tpu.dynamic_gather %select_n3A_339[%gather3A_361] in [0] : vector<16xi32>, vector<16xi32> -> vector<16xi32>
    %lt3A_363 = arith.cmpf olt, %gather3A_352, %select_n3A_338 : vector<16xf32>
    %eq3A_364 = arith.cmpf oeq, %gather3A_352, %select_n3A_338 : vector<16xf32>
    %lt3A_365 = arith.cmpi slt, %gather3A_362, %select_n3A_339 : vector<16xi32>
    %and3A_366 = arith.andi %eq3A_364, %lt3A_365 : vector<16xi1>
    %or3A_367 = arith.ori %lt3A_363, %and3A_366 : vector<16xi1>
    %select_n3A_368 = arith.select %or3A_367, %gather3A_352, %select_n3A_338 : vector<16xi1>, vector<16xf32>
    %select_n3A_369 = arith.select %or3A_367, %gather3A_362, %select_n3A_339 : vector<16xi1>, vector<16xi32>
    %xor3A_370 = arith.constant 1 : i32
    %xor3A_371 = vector.broadcast %xor3A_370 : i32 to vector<16xi32>
    %xor3A_372 = arith.xori %iota3A, %xor3A_371 : vector<16xi32>
    %lt3A_373 = arith.constant 0 : i32
    %lt3A_374 = vector.broadcast %lt3A_373 : i32 to vector<16xi32>
    %lt3A_375 = arith.cmpi slt, %xor3A_372, %lt3A_374 : vector<16xi32>
    %add3A_376 = arith.constant 16 : i32
    %add3A_377 = vector.broadcast %add3A_376 : i32 to vector<16xi32>
    %add3A_378 = arith.addi %xor3A_372, %add3A_377 : vector<16xi32>
    %select_n3A_379 = arith.select %lt3A_375, %add3A_378, %xor3A_372 : vector<16xi1>, vector<16xi32>
    %broadcast_in_dim3A_380 = vector.shape_cast %select_n3A_379 : vector<16xi32> to vector<16x1xi32>
    %gather3A_381 = vector.shape_cast %broadcast_in_dim3A_380 : vector<16x1xi32> to vector<16xi32>
    %gather3A_382 = tpu.dynamic_gather %select_n3A_368[%gather3A_381] in [0] : vector<16xf32>, vector<16xi32> -> vector<16xf32>
    %lt3A_383 = arith.constant 0 : i32
    %lt3A_384 = vector.broadcast %lt3A_383 : i32 to vector<16xi32>
    %lt3A_385 = arith.cmpi slt, %xor3A_372, %lt3A_384 : vector<16xi32>
    %add3A_386 = arith.constant 16 : i32
    %add3A_387 = vector.broadcast %add3A_386 : i32 to vector<16xi32>
    %add3A_388 = arith.addi %xor3A_372, %add3A_387 : vector<16xi32>
    %select_n3A_389 = arith.select %lt3A_385, %add3A_388, %xor3A_372 : vector<16xi1>, vector<16xi32>
    %broadcast_in_dim3A_390 = vector.shape_cast %select_n3A_389 : vector<16xi32> to vector<16x1xi32>
    %gather3A_391 = vector.shape_cast %broadcast_in_dim3A_390 : vector<16x1xi32> to vector<16xi32>
    %gather3A_392 = tpu.dynamic_gather %select_n3A_369[%gather3A_391] in [0] : vector<16xi32>, vector<16xi32> -> vector<16xi32>
    %lt3A_393 = arith.cmpf olt, %gather3A_382, %select_n3A_368 : vector<16xf32>
    %eq3A_394 = arith.cmpf oeq, %gather3A_382, %select_n3A_368 : vector<16xf32>
    %lt3A_395 = arith.cmpi slt, %gather3A_392, %select_n3A_369 : vector<16xi32>
    %and3A_396 = arith.andi %eq3A_394, %lt3A_395 : vector<16xi1>
    %or3A_397 = arith.ori %lt3A_393, %and3A_396 : vector<16xi1>
    %select_n3A_398 = arith.select %or3A_397, %gather3A_382, %select_n3A_368 : vector<16xi1>, vector<16xf32>
    %select_n3A_399 = arith.select %or3A_397, %gather3A_392, %select_n3A_369 : vector<16xi1>, vector<16xi32>
    %eq3A_400 = arith.constant 2 : i32
    %eq3A_401 = vector.broadcast %eq3A_400 : i32 to vector<16xi32>
    %eq3A_402 = arith.cmpi eq, %iota3A, %eq3A_401 : vector<16xi32>
    %select_n3A_403 = arith.select %eq3A_402, %select_n3A_399, %select_n3A_269 : vector<16xi1>, vector<16xi32>
    %scan3A_404 = arith.constant 0 : i32
    %scan3A_405 = arith.constant 32 : i32
    %scan3A_406 = arith.addi %scan3A_404, %scan3A_405 : i32
    %scan3A_407 = arith.constant 1 : i32
    %scan3A_408:3 = scf.for %scan3A_541 = %scan3A_404 to %scan3A_406 step %scan3A_407 iter_args(%scan3A_542 = %broadcast_in_dim3A_5, %scan3A_543 = %broadcast_in_dim3A_7, %scan3A_544 = %broadcast_in_dim3A_7) -> (vector<16xf32>, vector<16xi32>, vector<16xi32>)  : i32 {
      %mul3A_545 = arith.constant 256 : i32
      %mul3A_546 = arith.muli %scan3A_541, %mul3A_545 : i32
      %add3A_547 = arith.constant 0 : i32
      %add3A_548 = arith.addi %mul3A_546, %add3A_547 : i32
      %get3A = arith.constant 3 : i32
      %get3A_549 = arith.index_cast %get3A : i32 to index
      %get3A_550 = arith.index_cast %add3A_548 : i32 to index
      %get3A_551 = tpu.vector_load %arg4[%get3A_549, %get3A_550] {strides = array<i32>} : memref<4x8192xf32, #tpu.memory_space<vmem>>, vector<1x16xf32>,
      %get3A_552 = vector.shape_cast %get3A_551 : vector<1x16xf32> to vector<16xf32>
      %lt3A_553 = arith.cmpf olt, %get3A_552, %scan3A_542 : vector<16xf32>
      %min3A = arith.minimumf %scan3A_542, %get3A_552 : vector<16xf32>
      %select_n3A_554 = arith.select %lt3A_553, %scan3A_544, %scan3A_543 : vector<16xi1>, vector<16xi32>
      %add3A_555 = arith.addi %scan3A_544, %broadcast_in_dim3A_9 : vector<16xi32>
      %add3A_556 = arith.constant 16 : i32
      %add3A_557 = arith.addi %mul3A_546, %add3A_556 : i32
      %get3A_558 = arith.constant 3 : i32
      %get3A_559 = arith.index_cast %get3A_558 : i32 to index
      %get3A_560 = arith.index_cast %add3A_557 : i32 to index
      %get3A_561 = tpu.vector_load %arg4[%get3A_559, %get3A_560] {strides = array<i32>} : memref<4x8192xf32, #tpu.memory_space<vmem>>, vector<1x16xf32>,
      %get3A_562 = vector.shape_cast %get3A_561 : vector<1x16xf32> to vector<16xf32>
      %lt3A_563 = arith.cmpf olt, %get3A_562, %min3A : vector<16xf32>
      %min3A_564 = arith.minimumf %min3A, %get3A_562 : vector<16xf32>
      %select_n3A_565 = arith.select %lt3A_563, %add3A_555, %select_n3A_554 : vector<16xi1>, vector<16xi32>
      %add3A_566 = arith.addi %add3A_555, %broadcast_in_dim3A_9 : vector<16xi32>
      %add3A_567 = arith.constant 32 : i32
      %add3A_568 = arith.addi %mul3A_546, %add3A_567 : i32
      %get3A_569 = arith.constant 3 : i32
      %get3A_570 = arith.index_cast %get3A_569 : i32 to index
      %get3A_571 = arith.index_cast %add3A_568 : i32 to index
      %get3A_572 = tpu.vector_load %arg4[%get3A_570, %get3A_571] {strides = array<i32>} : memref<4x8192xf32, #tpu.memory_space<vmem>>, vector<1x16xf32>,
      %get3A_573 = vector.shape_cast %get3A_572 : vector<1x16xf32> to vector<16xf32>
      %lt3A_574 = arith.cmpf olt, %get3A_573, %min3A_564 : vector<16xf32>
      %min3A_575 = arith.minimumf %min3A_564, %get3A_573 : vector<16xf32>
      %select_n3A_576 = arith.select %lt3A_574, %add3A_566, %select_n3A_565 : vector<16xi1>, vector<16xi32>
      %add3A_577 = arith.addi %add3A_566, %broadcast_in_dim3A_9 : vector<16xi32>
      %add3A_578 = arith.constant 48 : i32
      %add3A_579 = arith.addi %mul3A_546, %add3A_578 : i32
      %get3A_580 = arith.constant 3 : i32
      %get3A_581 = arith.index_cast %get3A_580 : i32 to index
      %get3A_582 = arith.index_cast %add3A_579 : i32 to index
      %get3A_583 = tpu.vector_load %arg4[%get3A_581, %get3A_582] {strides = array<i32>} : memref<4x8192xf32, #tpu.memory_space<vmem>>, vector<1x16xf32>,
      %get3A_584 = vector.shape_cast %get3A_583 : vector<1x16xf32> to vector<16xf32>
      %lt3A_585 = arith.cmpf olt, %get3A_584, %min3A_575 : vector<16xf32>
      %min3A_586 = arith.minimumf %min3A_575, %get3A_584 : vector<16xf32>
      %select_n3A_587 = arith.select %lt3A_585, %add3A_577, %select_n3A_576 : vector<16xi1>, vector<16xi32>
      %add3A_588 = arith.addi %add3A_577, %broadcast_in_dim3A_9 : vector<16xi32>
      %add3A_589 = arith.constant 64 : i32
      %add3A_590 = arith.addi %mul3A_546, %add3A_589 : i32
      %get3A_591 = arith.constant 3 : i32
      %get3A_592 = arith.index_cast %get3A_591 : i32 to index
      %get3A_593 = arith.index_cast %add3A_590 : i32 to index
      %get3A_594 = tpu.vector_load %arg4[%get3A_592, %get3A_593] {strides = array<i32>} : memref<4x8192xf32, #tpu.memory_space<vmem>>, vector<1x16xf32>,
      %get3A_595 = vector.shape_cast %get3A_594 : vector<1x16xf32> to vector<16xf32>
      %lt3A_596 = arith.cmpf olt, %get3A_595, %min3A_586 : vector<16xf32>
      %min3A_597 = arith.minimumf %min3A_586, %get3A_595 : vector<16xf32>
      %select_n3A_598 = arith.select %lt3A_596, %add3A_588, %select_n3A_587 : vector<16xi1>, vector<16xi32>
      %add3A_599 = arith.addi %add3A_588, %broadcast_in_dim3A_9 : vector<16xi32>
      %add3A_600 = arith.constant 80 : i32
      %add3A_601 = arith.addi %mul3A_546, %add3A_600 : i32
      %get3A_602 = arith.constant 3 : i32
      %get3A_603 = arith.index_cast %get3A_602 : i32 to index
      %get3A_604 = arith.index_cast %add3A_601 : i32 to index
      %get3A_605 = tpu.vector_load %arg4[%get3A_603, %get3A_604] {strides = array<i32>} : memref<4x8192xf32, #tpu.memory_space<vmem>>, vector<1x16xf32>,
      %get3A_606 = vector.shape_cast %get3A_605 : vector<1x16xf32> to vector<16xf32>
      %lt3A_607 = arith.cmpf olt, %get3A_606, %min3A_597 : vector<16xf32>
      %min3A_608 = arith.minimumf %min3A_597, %get3A_606 : vector<16xf32>
      %select_n3A_609 = arith.select %lt3A_607, %add3A_599, %select_n3A_598 : vector<16xi1>, vector<16xi32>
      %add3A_610 = arith.addi %add3A_599, %broadcast_in_dim3A_9 : vector<16xi32>
      %add3A_611 = arith.constant 96 : i32
      %add3A_612 = arith.addi %mul3A_546, %add3A_611 : i32
      %get3A_613 = arith.constant 3 : i32
      %get3A_614 = arith.index_cast %get3A_613 : i32 to index
      %get3A_615 = arith.index_cast %add3A_612 : i32 to index
      %get3A_616 = tpu.vector_load %arg4[%get3A_614, %get3A_615] {strides = array<i32>} : memref<4x8192xf32, #tpu.memory_space<vmem>>, vector<1x16xf32>,
      %get3A_617 = vector.shape_cast %get3A_616 : vector<1x16xf32> to vector<16xf32>
      %lt3A_618 = arith.cmpf olt, %get3A_617, %min3A_608 : vector<16xf32>
      %min3A_619 = arith.minimumf %min3A_608, %get3A_617 : vector<16xf32>
      %select_n3A_620 = arith.select %lt3A_618, %add3A_610, %select_n3A_609 : vector<16xi1>, vector<16xi32>
      %add3A_621 = arith.addi %add3A_610, %broadcast_in_dim3A_9 : vector<16xi32>
      %add3A_622 = arith.constant 112 : i32
      %add3A_623 = arith.addi %mul3A_546, %add3A_622 : i32
      %get3A_624 = arith.constant 3 : i32
      %get3A_625 = arith.index_cast %get3A_624 : i32 to index
      %get3A_626 = arith.index_cast %add3A_623 : i32 to index
      %get3A_627 = tpu.vector_load %arg4[%get3A_625, %get3A_626] {strides = array<i32>} : memref<4x8192xf32, #tpu.memory_space<vmem>>, vector<1x16xf32>,
      %get3A_628 = vector.shape_cast %get3A_627 : vector<1x16xf32> to vector<16xf32>
      %lt3A_629 = arith.cmpf olt, %get3A_628, %min3A_619 : vector<16xf32>
      %min3A_630 = arith.minimumf %min3A_619, %get3A_628 : vector<16xf32>
      %select_n3A_631 = arith.select %lt3A_629, %add3A_621, %select_n3A_620 : vector<16xi1>, vector<16xi32>
      %add3A_632 = arith.addi %add3A_621, %broadcast_in_dim3A_9 : vector<16xi32>
      %add3A_633 = arith.constant 128 : i32
      %add3A_634 = arith.addi %mul3A_546, %add3A_633 : i32
      %get3A_635 = arith.constant 3 : i32
      %get3A_636 = arith.index_cast %get3A_635 : i32 to index
      %get3A_637 = arith.index_cast %add3A_634 : i32 to index
      %get3A_638 = tpu.vector_load %arg4[%get3A_636, %get3A_637] {strides = array<i32>} : memref<4x8192xf32, #tpu.memory_space<vmem>>, vector<1x16xf32>,
      %get3A_639 = vector.shape_cast %get3A_638 : vector<1x16xf32> to vector<16xf32>
      %lt3A_640 = arith.cmpf olt, %get3A_639, %min3A_630 : vector<16xf32>
      %min3A_641 = arith.minimumf %min3A_630, %get3A_639 : vector<16xf32>
      %select_n3A_642 = arith.select %lt3A_640, %add3A_632, %select_n3A_631 : vector<16xi1>, vector<16xi32>
      %add3A_643 = arith.addi %add3A_632, %broadcast_in_dim3A_9 : vector<16xi32>
      %add3A_644 = arith.constant 144 : i32
      %add3A_645 = arith.addi %mul3A_546, %add3A_644 : i32
      %get3A_646 = arith.constant 3 : i32
      %get3A_647 = arith.index_cast %get3A_646 : i32 to index
      %get3A_648 = arith.index_cast %add3A_645 : i32 to index
      %get3A_649 = tpu.vector_load %arg4[%get3A_647, %get3A_648] {strides = array<i32>} : memref<4x8192xf32, #tpu.memory_space<vmem>>, vector<1x16xf32>,
      %get3A_650 = vector.shape_cast %get3A_649 : vector<1x16xf32> to vector<16xf32>
      %lt3A_651 = arith.cmpf olt, %get3A_650, %min3A_641 : vector<16xf32>
      %min3A_652 = arith.minimumf %min3A_641, %get3A_650 : vector<16xf32>
      %select_n3A_653 = arith.select %lt3A_651, %add3A_643, %select_n3A_642 : vector<16xi1>, vector<16xi32>
      %add3A_654 = arith.addi %add3A_643, %broadcast_in_dim3A_9 : vector<16xi32>
      %add3A_655 = arith.constant 160 : i32
      %add3A_656 = arith.addi %mul3A_546, %add3A_655 : i32
      %get3A_657 = arith.constant 3 : i32
      %get3A_658 = arith.index_cast %get3A_657 : i32 to index
      %get3A_659 = arith.index_cast %add3A_656 : i32 to index
      %get3A_660 = tpu.vector_load %arg4[%get3A_658, %get3A_659] {strides = array<i32>} : memref<4x8192xf32, #tpu.memory_space<vmem>>, vector<1x16xf32>,
      %get3A_661 = vector.shape_cast %get3A_660 : vector<1x16xf32> to vector<16xf32>
      %lt3A_662 = arith.cmpf olt, %get3A_661, %min3A_652 : vector<16xf32>
      %min3A_663 = arith.minimumf %min3A_652, %get3A_661 : vector<16xf32>
      %select_n3A_664 = arith.select %lt3A_662, %add3A_654, %select_n3A_653 : vector<16xi1>, vector<16xi32>
      %add3A_665 = arith.addi %add3A_654, %broadcast_in_dim3A_9 : vector<16xi32>
      %add3A_666 = arith.constant 176 : i32
      %add3A_667 = arith.addi %mul3A_546, %add3A_666 : i32
      %get3A_668 = arith.constant 3 : i32
      %get3A_669 = arith.index_cast %get3A_668 : i32 to index
      %get3A_670 = arith.index_cast %add3A_667 : i32 to index
      %get3A_671 = tpu.vector_load %arg4[%get3A_669, %get3A_670] {strides = array<i32>} : memref<4x8192xf32, #tpu.memory_space<vmem>>, vector<1x16xf32>,
      %get3A_672 = vector.shape_cast %get3A_671 : vector<1x16xf32> to vector<16xf32>
      %lt3A_673 = arith.cmpf olt, %get3A_672, %min3A_663 : vector<16xf32>
      %min3A_674 = arith.minimumf %min3A_663, %get3A_672 : vector<16xf32>
      %select_n3A_675 = arith.select %lt3A_673, %add3A_665, %select_n3A_664 : vector<16xi1>, vector<16xi32>
      %add3A_676 = arith.addi %add3A_665, %broadcast_in_dim3A_9 : vector<16xi32>
      %add3A_677 = arith.constant 192 : i32
      %add3A_678 = arith.addi %mul3A_546, %add3A_677 : i32
      %get3A_679 = arith.constant 3 : i32
      %get3A_680 = arith.index_cast %get3A_679 : i32 to index
      %get3A_681 = arith.index_cast %add3A_678 : i32 to index
      %get3A_682 = tpu.vector_load %arg4[%get3A_680, %get3A_681] {strides = array<i32>} : memref<4x8192xf32, #tpu.memory_space<vmem>>, vector<1x16xf32>,
      %get3A_683 = vector.shape_cast %get3A_682 : vector<1x16xf32> to vector<16xf32>
      %lt3A_684 = arith.cmpf olt, %get3A_683, %min3A_674 : vector<16xf32>
      %min3A_685 = arith.minimumf %min3A_674, %get3A_683 : vector<16xf32>
      %select_n3A_686 = arith.select %lt3A_684, %add3A_676, %select_n3A_675 : vector<16xi1>, vector<16xi32>
      %add3A_687 = arith.addi %add3A_676, %broadcast_in_dim3A_9 : vector<16xi32>
      %add3A_688 = arith.constant 208 : i32
      %add3A_689 = arith.addi %mul3A_546, %add3A_688 : i32
      %get3A_690 = arith.constant 3 : i32
      %get3A_691 = arith.index_cast %get3A_690 : i32 to index
      %get3A_692 = arith.index_cast %add3A_689 : i32 to index
      %get3A_693 = tpu.vector_load %arg4[%get3A_691, %get3A_692] {strides = array<i32>} : memref<4x8192xf32, #tpu.memory_space<vmem>>, vector<1x16xf32>,
      %get3A_694 = vector.shape_cast %get3A_693 : vector<1x16xf32> to vector<16xf32>
      %lt3A_695 = arith.cmpf olt, %get3A_694, %min3A_685 : vector<16xf32>
      %min3A_696 = arith.minimumf %min3A_685, %get3A_694 : vector<16xf32>
      %select_n3A_697 = arith.select %lt3A_695, %add3A_687, %select_n3A_686 : vector<16xi1>, vector<16xi32>
      %add3A_698 = arith.addi %add3A_687, %broadcast_in_dim3A_9 : vector<16xi32>
      %add3A_699 = arith.constant 224 : i32
      %add3A_700 = arith.addi %mul3A_546, %add3A_699 : i32
      %get3A_701 = arith.constant 3 : i32
      %get3A_702 = arith.index_cast %get3A_701 : i32 to index
      %get3A_703 = arith.index_cast %add3A_700 : i32 to index
      %get3A_704 = tpu.vector_load %arg4[%get3A_702, %get3A_703] {strides = array<i32>} : memref<4x8192xf32, #tpu.memory_space<vmem>>, vector<1x16xf32>,
      %get3A_705 = vector.shape_cast %get3A_704 : vector<1x16xf32> to vector<16xf32>
      %lt3A_706 = arith.cmpf olt, %get3A_705, %min3A_696 : vector<16xf32>
      %min3A_707 = arith.minimumf %min3A_696, %get3A_705 : vector<16xf32>
      %select_n3A_708 = arith.select %lt3A_706, %add3A_698, %select_n3A_697 : vector<16xi1>, vector<16xi32>
      %add3A_709 = arith.addi %add3A_698, %broadcast_in_dim3A_9 : vector<16xi32>
      %add3A_710 = arith.constant 240 : i32
      %add3A_711 = arith.addi %mul3A_546, %add3A_710 : i32
      %get3A_712 = arith.constant 3 : i32
      %get3A_713 = arith.index_cast %get3A_712 : i32 to index
      %get3A_714 = arith.index_cast %add3A_711 : i32 to index
      %get3A_715 = tpu.vector_load %arg4[%get3A_713, %get3A_714] {strides = array<i32>} : memref<4x8192xf32, #tpu.memory_space<vmem>>, vector<1x16xf32>,
      %get3A_716 = vector.shape_cast %get3A_715 : vector<1x16xf32> to vector<16xf32>
      %lt3A_717 = arith.cmpf olt, %get3A_716, %min3A_707 : vector<16xf32>
      %min3A_718 = arith.minimumf %min3A_707, %get3A_716 : vector<16xf32>
      %select_n3A_719 = arith.select %lt3A_717, %add3A_709, %select_n3A_708 : vector<16xi1>, vector<16xi32>
      %add3A_720 = arith.addi %add3A_709, %broadcast_in_dim3A_9 : vector<16xi32>
      scf.yield %min3A_718, %select_n3A_719, %add3A_720 : vector<16xf32>, vector<16xi32>, vector<16xi32>
    }
    %scan3A_409 = arith.constant 32 : i32
    %mul3A_410 = arith.constant 16 : i32
    %mul3A_411 = vector.broadcast %mul3A_410 : i32 to vector<16xi32>
    %mul3A_412 = arith.muli %scan3A_408#1, %mul3A_411 : vector<16xi32>
    %add3A_413 = arith.addi %mul3A_412, %iota3A : vector<16xi32>
    %xor3A_414 = arith.constant 8 : i32
    %xor3A_415 = vector.broadcast %xor3A_414 : i32 to vector<16xi32>
    %xor3A_416 = arith.xori %iota3A, %xor3A_415 : vector<16xi32>
    %lt3A_417 = arith.constant 0 : i32
    %lt3A_418 = vector.broadcast %lt3A_417 : i32 to vector<16xi32>
    %lt3A_419 = arith.cmpi slt, %xor3A_416, %lt3A_418 : vector<16xi32>
    %add3A_420 = arith.constant 16 : i32
    %add3A_421 = vector.broadcast %add3A_420 : i32 to vector<16xi32>
    %add3A_422 = arith.addi %xor3A_416, %add3A_421 : vector<16xi32>
    %select_n3A_423 = arith.select %lt3A_419, %add3A_422, %xor3A_416 : vector<16xi1>, vector<16xi32>
    %broadcast_in_dim3A_424 = vector.shape_cast %select_n3A_423 : vector<16xi32> to vector<16x1xi32>
    %gather3A_425 = vector.shape_cast %broadcast_in_dim3A_424 : vector<16x1xi32> to vector<16xi32>
    %gather3A_426 = tpu.dynamic_gather %scan3A_408#0[%gather3A_425] in [0] : vector<16xf32>, vector<16xi32> -> vector<16xf32>
    %lt3A_427 = arith.constant 0 : i32
    %lt3A_428 = vector.broadcast %lt3A_427 : i32 to vector<16xi32>
    %lt3A_429 = arith.cmpi slt, %xor3A_416, %lt3A_428 : vector<16xi32>
    %add3A_430 = arith.constant 16 : i32
    %add3A_431 = vector.broadcast %add3A_430 : i32 to vector<16xi32>
    %add3A_432 = arith.addi %xor3A_416, %add3A_431 : vector<16xi32>
    %select_n3A_433 = arith.select %lt3A_429, %add3A_432, %xor3A_416 : vector<16xi1>, vector<16xi32>
    %broadcast_in_dim3A_434 = vector.shape_cast %select_n3A_433 : vector<16xi32> to vector<16x1xi32>
    %gather3A_435 = vector.shape_cast %broadcast_in_dim3A_434 : vector<16x1xi32> to vector<16xi32>
    %gather3A_436 = tpu.dynamic_gather %add3A_413[%gather3A_435] in [0] : vector<16xi32>, vector<16xi32> -> vector<16xi32>
    %lt3A_437 = arith.cmpf olt, %gather3A_426, %scan3A_408#0 : vector<16xf32>
    %eq3A_438 = arith.cmpf oeq, %gather3A_426, %scan3A_408#0 : vector<16xf32>
    %lt3A_439 = arith.cmpi slt, %gather3A_436, %add3A_413 : vector<16xi32>
    %and3A_440 = arith.andi %eq3A_438, %lt3A_439 : vector<16xi1>
    %or3A_441 = arith.ori %lt3A_437, %and3A_440 : vector<16xi1>
    %select_n3A_442 = arith.select %or3A_441, %gather3A_426, %scan3A_408#0 : vector<16xi1>, vector<16xf32>
    %select_n3A_443 = arith.select %or3A_441, %gather3A_436, %add3A_413 : vector<16xi1>, vector<16xi32>
    %xor3A_444 = arith.constant 4 : i32
    %xor3A_445 = vector.broadcast %xor3A_444 : i32 to vector<16xi32>
    %xor3A_446 = arith.xori %iota3A, %xor3A_445 : vector<16xi32>
    %lt3A_447 = arith.constant 0 : i32
    %lt3A_448 = vector.broadcast %lt3A_447 : i32 to vector<16xi32>
    %lt3A_449 = arith.cmpi slt, %xor3A_446, %lt3A_448 : vector<16xi32>
    %add3A_450 = arith.constant 16 : i32
    %add3A_451 = vector.broadcast %add3A_450 : i32 to vector<16xi32>
    %add3A_452 = arith.addi %xor3A_446, %add3A_451 : vector<16xi32>
    %select_n3A_453 = arith.select %lt3A_449, %add3A_452, %xor3A_446 : vector<16xi1>, vector<16xi32>
    %broadcast_in_dim3A_454 = vector.shape_cast %select_n3A_453 : vector<16xi32> to vector<16x1xi32>
    %gather3A_455 = vector.shape_cast %broadcast_in_dim3A_454 : vector<16x1xi32> to vector<16xi32>
    %gather3A_456 = tpu.dynamic_gather %select_n3A_442[%gather3A_455] in [0] : vector<16xf32>, vector<16xi32> -> vector<16xf32>
    %lt3A_457 = arith.constant 0 : i32
    %lt3A_458 = vector.broadcast %lt3A_457 : i32 to vector<16xi32>
    %lt3A_459 = arith.cmpi slt, %xor3A_446, %lt3A_458 : vector<16xi32>
    %add3A_460 = arith.constant 16 : i32
    %add3A_461 = vector.broadcast %add3A_460 : i32 to vector<16xi32>
    %add3A_462 = arith.addi %xor3A_446, %add3A_461 : vector<16xi32>
    %select_n3A_463 = arith.select %lt3A_459, %add3A_462, %xor3A_446 : vector<16xi1>, vector<16xi32>
    %broadcast_in_dim3A_464 = vector.shape_cast %select_n3A_463 : vector<16xi32> to vector<16x1xi32>
    %gather3A_465 = vector.shape_cast %broadcast_in_dim3A_464 : vector<16x1xi32> to vector<16xi32>
    %gather3A_466 = tpu.dynamic_gather %select_n3A_443[%gather3A_465] in [0] : vector<16xi32>, vector<16xi32> -> vector<16xi32>
    %lt3A_467 = arith.cmpf olt, %gather3A_456, %select_n3A_442 : vector<16xf32>
    %eq3A_468 = arith.cmpf oeq, %gather3A_456, %select_n3A_442 : vector<16xf32>
    %lt3A_469 = arith.cmpi slt, %gather3A_466, %select_n3A_443 : vector<16xi32>
    %and3A_470 = arith.andi %eq3A_468, %lt3A_469 : vector<16xi1>
    %or3A_471 = arith.ori %lt3A_467, %and3A_470 : vector<16xi1>
    %select_n3A_472 = arith.select %or3A_471, %gather3A_456, %select_n3A_442 : vector<16xi1>, vector<16xf32>
    %select_n3A_473 = arith.select %or3A_471, %gather3A_466, %select_n3A_443 : vector<16xi1>, vector<16xi32>
    %xor3A_474 = arith.constant 2 : i32
    %xor3A_475 = vector.broadcast %xor3A_474 : i32 to vector<16xi32>
    %xor3A_476 = arith.xori %iota3A, %xor3A_475 : vector<16xi32>
    %lt3A_477 = arith.constant 0 : i32
    %lt3A_478 = vector.broadcast %lt3A_477 : i32 to vector<16xi32>
    %lt3A_479 = arith.cmpi slt, %xor3A_476, %lt3A_478 : vector<16xi32>
    %add3A_480 = arith.constant 16 : i32
    %add3A_481 = vector.broadcast %add3A_480 : i32 to vector<16xi32>
    %add3A_482 = arith.addi %xor3A_476, %add3A_481 : vector<16xi32>
    %select_n3A_483 = arith.select %lt3A_479, %add3A_482, %xor3A_476 : vector<16xi1>, vector<16xi32>
    %broadcast_in_dim3A_484 = vector.shape_cast %select_n3A_483 : vector<16xi32> to vector<16x1xi32>
    %gather3A_485 = vector.shape_cast %broadcast_in_dim3A_484 : vector<16x1xi32> to vector<16xi32>
    %gather3A_486 = tpu.dynamic_gather %select_n3A_472[%gather3A_485] in [0] : vector<16xf32>, vector<16xi32> -> vector<16xf32>
    %lt3A_487 = arith.constant 0 : i32
    %lt3A_488 = vector.broadcast %lt3A_487 : i32 to vector<16xi32>
    %lt3A_489 = arith.cmpi slt, %xor3A_476, %lt3A_488 : vector<16xi32>
    %add3A_490 = arith.constant 16 : i32
    %add3A_491 = vector.broadcast %add3A_490 : i32 to vector<16xi32>
    %add3A_492 = arith.addi %xor3A_476, %add3A_491 : vector<16xi32>
    %select_n3A_493 = arith.select %lt3A_489, %add3A_492, %xor3A_476 : vector<16xi1>, vector<16xi32>
    %broadcast_in_dim3A_494 = vector.shape_cast %select_n3A_493 : vector<16xi32> to vector<16x1xi32>
    %gather3A_495 = vector.shape_cast %broadcast_in_dim3A_494 : vector<16x1xi32> to vector<16xi32>
    %gather3A_496 = tpu.dynamic_gather %select_n3A_473[%gather3A_495] in [0] : vector<16xi32>, vector<16xi32> -> vector<16xi32>
    %lt3A_497 = arith.cmpf olt, %gather3A_486, %select_n3A_472 : vector<16xf32>
    %eq3A_498 = arith.cmpf oeq, %gather3A_486, %select_n3A_472 : vector<16xf32>
    %lt3A_499 = arith.cmpi slt, %gather3A_496, %select_n3A_473 : vector<16xi32>
    %and3A_500 = arith.andi %eq3A_498, %lt3A_499 : vector<16xi1>
    %or3A_501 = arith.ori %lt3A_497, %and3A_500 : vector<16xi1>
    %select_n3A_502 = arith.select %or3A_501, %gather3A_486, %select_n3A_472 : vector<16xi1>, vector<16xf32>
    %select_n3A_503 = arith.select %or3A_501, %gather3A_496, %select_n3A_473 : vector<16xi1>, vector<16xi32>
    %xor3A_504 = arith.constant 1 : i32
    %xor3A_505 = vector.broadcast %xor3A_504 : i32 to vector<16xi32>
    %xor3A_506 = arith.xori %iota3A, %xor3A_505 : vector<16xi32>
    %lt3A_507 = arith.constant 0 : i32
    %lt3A_508 = vector.broadcast %lt3A_507 : i32 to vector<16xi32>
    %lt3A_509 = arith.cmpi slt, %xor3A_506, %lt3A_508 : vector<16xi32>
    %add3A_510 = arith.constant 16 : i32
    %add3A_511 = vector.broadcast %add3A_510 : i32 to vector<16xi32>
    %add3A_512 = arith.addi %xor3A_506, %add3A_511 : vector<16xi32>
    %select_n3A_513 = arith.select %lt3A_509, %add3A_512, %xor3A_506 : vector<16xi1>, vector<16xi32>
    %broadcast_in_dim3A_514 = vector.shape_cast %select_n3A_513 : vector<16xi32> to vector<16x1xi32>
    %gather3A_515 = vector.shape_cast %broadcast_in_dim3A_514 : vector<16x1xi32> to vector<16xi32>
    %gather3A_516 = tpu.dynamic_gather %select_n3A_502[%gather3A_515] in [0] : vector<16xf32>, vector<16xi32> -> vector<16xf32>
    %lt3A_517 = arith.constant 0 : i32
    %lt3A_518 = vector.broadcast %lt3A_517 : i32 to vector<16xi32>
    %lt3A_519 = arith.cmpi slt, %xor3A_506, %lt3A_518 : vector<16xi32>
    %add3A_520 = arith.constant 16 : i32
    %add3A_521 = vector.broadcast %add3A_520 : i32 to vector<16xi32>
    %add3A_522 = arith.addi %xor3A_506, %add3A_521 : vector<16xi32>
    %select_n3A_523 = arith.select %lt3A_519, %add3A_522, %xor3A_506 : vector<16xi1>, vector<16xi32>
    %broadcast_in_dim3A_524 = vector.shape_cast %select_n3A_523 : vector<16xi32> to vector<16x1xi32>
    %gather3A_525 = vector.shape_cast %broadcast_in_dim3A_524 : vector<16x1xi32> to vector<16xi32>
    %gather3A_526 = tpu.dynamic_gather %select_n3A_503[%gather3A_525] in [0] : vector<16xi32>, vector<16xi32> -> vector<16xi32>
    %lt3A_527 = arith.cmpf olt, %gather3A_516, %select_n3A_502 : vector<16xf32>
    %eq3A_528 = arith.cmpf oeq, %gather3A_516, %select_n3A_502 : vector<16xf32>
    %lt3A_529 = arith.cmpi slt, %gather3A_526, %select_n3A_503 : vector<16xi32>
    %and3A_530 = arith.andi %eq3A_528, %lt3A_529 : vector<16xi1>
    %or3A_531 = arith.ori %lt3A_527, %and3A_530 : vector<16xi1>
    %select_n3A_532 = arith.select %or3A_531, %gather3A_516, %select_n3A_502 : vector<16xi1>, vector<16xf32>
    %select_n3A_533 = arith.select %or3A_531, %gather3A_526, %select_n3A_503 : vector<16xi1>, vector<16xi32>
    %eq3A_534 = arith.constant 3 : i32
    %eq3A_535 = vector.broadcast %eq3A_534 : i32 to vector<16xi32>
    %eq3A_536 = arith.cmpi eq, %iota3A, %eq3A_535 : vector<16xi32>
    %select_n3A_537 = arith.select %eq3A_536, %select_n3A_533, %select_n3A_403 : vector<16xi1>, vector<16xi32>
    %swap3A = arith.constant 0 : index
    %swap3A_538 = tpu.vector_load %arg5[%swap3A] {strides = array<i32>} : memref<16xi32, #tpu.memory_space<vmem>>, vector<16xi32>,
    %swap3A_539 = vector.shape_cast %swap3A_538 : vector<16xi32> to vector<16xi32>
    %swap3A_540 = vector.shape_cast %select_n3A_537 : vector<16xi32> to vector<16xi32>
    tpu.vector_store %arg5[%swap3A], %swap3A_540 {strides = array<i32>} : memref<16xi32, #tpu.memory_space<vmem>>, vector<16xi32>,
    "tpu.region"() ({
      %run_scoped3A = tpu.sem_alloc : memref<!tpu.dma_semaphore, #tpu.memory_space<semaphore_mem>>
      %dma_start3A = arith.constant 0 : i32
      %dma_start3A_541 = tpu.memref_slice %arg3[%add3A, %dma_start3A] : memref<32x16xi32, #tpu.memory_space<hbm>> -> memref<1x16xi32, #tpu.memory_space<hbm>>
      %dma_start3A_542 = tpu.memref_squeeze %dma_start3A_541 : memref<1x16xi32, #tpu.memory_space<hbm>> -> memref<16xi32, #tpu.memory_space<hbm>>
      %dma_start3A_543 = arith.constant 0 : i32
      %dma_start3A_544 = tpu.memref_slice %arg3[%add3A, %dma_start3A_543] : memref<32x16xi32, #tpu.memory_space<hbm>> -> memref<1x16xi32, #tpu.memory_space<hbm>>
      %dma_start3A_545 = tpu.memref_squeeze %dma_start3A_544 : memref<1x16xi32, #tpu.memory_space<hbm>> -> memref<16xi32, #tpu.memory_space<hbm>>
      tpu.enqueue_dma source(%arg5 : memref<16xi32, #tpu.memory_space<vmem>>) target(%dma_start3A_545 : memref<16xi32, #tpu.memory_space<hbm>>) target_semaphore(%run_scoped3A : memref<!tpu.dma_semaphore, #tpu.memory_space<semaphore_mem>>)
      %dma_wait3A = arith.constant 0 : i32
      %dma_wait3A_546 = tpu.memref_slice %arg3[%add3A, %dma_wait3A] : memref<32x16xi32, #tpu.memory_space<hbm>> -> memref<1x16xi32, #tpu.memory_space<hbm>>
      %dma_wait3A_547 = tpu.memref_squeeze %dma_wait3A_546 : memref<1x16xi32, #tpu.memory_space<hbm>> -> memref<16xi32, #tpu.memory_space<hbm>>
      %dma_wait3A_548 = arith.constant 0 : i32
      %dma_wait3A_549 = tpu.memref_slice %arg3[%add3A, %dma_wait3A_548] : memref<32x16xi32, #tpu.memory_space<hbm>> -> memref<1x16xi32, #tpu.memory_space<hbm>>
      %dma_wait3A_550 = tpu.memref_squeeze %dma_wait3A_549 : memref<1x16xi32, #tpu.memory_space<hbm>> -> memref<16xi32, #tpu.memory_space<hbm>>
      tpu.wait_dma2 semaphore(%run_scoped3A : memref<!tpu.dma_semaphore, #tpu.memory_space<semaphore_mem>>) src(%arg5 : memref<16xi32, #tpu.memory_space<vmem>>) dst(%dma_wait3A_550 : memref<16xi32, #tpu.memory_space<hbm>>)
      tpu.yield
    }) : () -> ()
    return
  }
}

</mosaic_0001>

<sc_bundles>
// kernel: kernel.3.cloned.1.call-start
scs
__scs_entry_jumppad:
0x0: {  	(pc) =	sbr.rel $0x88, $3  }
0x1: {  	(tag) =	ssettag $0x0;
	lr =	simm.s32 $0x1  }
0x2: {  	[smem:$0x3FA0] =	sst lr;
	_ =	strace $0xD0000000  }
0x3: {  	_ = 	snop  }
0x4: {  	_ = 	snop  }
0x5: {  	_ = 	snop  }
0x6: {  	_ = 	snop  }
0x7: {  	_ = 	snop  }
__scs_overlays_trampoline_lowered:
0x8: {  	[smem:$0x3FAF] =	sst s0  }
0x9: {  	[smem:$0x3FB0] =	sst s1  }
0xa: {  	[smem:$0x3FB1] =	sst s2  }
0xb: {  	[smem:$0x3FB2] =	sst s3  }
0xc: {  	[smem:$0x3FB3] =	sst s4  }
0xd: {  	[smem:$0x3FB4] =	sst s5  }
0xe: {  	[smem:$0x3FB5] =	sst s6  }
0xf: {  	[smem:$0x3FB6] =	sst s7  }
0x10: {  	[smem:$0x3FB7] =	sst s8  }
0x11: {  	[smem:$0x3FB8] =	sst s9;
	s0 =	simm.s32 @!p0 $0x0  }
0x12: {  	s1 =	sld [smem:$0x3F9E];
	s0 =	simm.s32 @p0 $0x1  }
0x13: {  	[smem:$0x3FB9] =	sst s0;
	s0 =	simm.s32 @!p1 $0x0  }
0x14: {  	s2 =	sld [smem:$0x3F9D];
	s0 =	simm.s32 @p1 $0x1  }
0x15: {  	[smem:$0x3FBA] =	sst s0;
	s0 =	simm.s32 @!p2 $0x0  }
0x16: {  	s3 =	sld [smem:$0x3FDB];
	s0 =	simm.s32 @p2 $0x1  }
0x17: {  	s4 =	simm.s32 $0x1BF5;
	[smem:$0x3FBC] =	sst s0  }
0x18: {  	s0 =	sld [smem:$0x3F9F];
	_ =	swait.ge [sflag:s4], $0x0  }
0x19: {  	s7 =	sld [smem:$0x3FA0]  }
0x1a: {  	s8 =	sadd.s32 $0xFFFFE003, lr  }
0x1b: {  	s9 =	sadd.s32 $0xFFFFFEF7, lr;
	s5 =	simm.s32 $0xFFFFFFFF;
	p2 =	slt.u32 s8, $0xFFFFF086  }
0x1c: {  	p1 =	slt.u32 s9, $0xF7A;
	s5 =	simm.s32 @!p2 $0x0  }
0x1d: {  	s5 =	simm.s32 @p1 $0x1;
	p0 =	seq.s32 s7, s2  }
0x1e: {  	s7 =	smul.u32 @!p0 $0xF7A, s2;
	p2 =	seq.s32 @!p0 s5, $0x0  }
0x1f: {  	s9 =	smul.u32 $0xF7A, s1;
	s8 =	simm.s32 @!p0 $0x1BF5;
	p2 =	por !p2, p0  }
0x20: {  	[sflag:s8] =	ssyncset.s32 @!p0 $0xFFFFF086;
	s6 =	sadd.s32 @!p0 s3, s7;
	s7 =	simm.s32 @!p0 $0x108  }
0x21: {  	s3 =	sadd.s32 s3, s9;
	s6 =	sadd.s32 @!p0 $0x88, s6;
	s7 =	simm.s32 @p2 $0x1082  }
0x22: {  	[simem:s7], [sflag:s8] =	dma.local @!p0 [hbm:s6], $0xF7A  }
0x23: {  	s9 =	sor.u32 $0xD0000000, s2;
	s6 =	simm.s32 $0x108;
	_ =	swait.ge @!p0 [sflag:s8], $0x0  }
0x24: {  	s3 =	sadd.s32 $0x88, s3;
	s6 =	simm.s32 @!p1 $0x1082;
	[sflag:s4] =	ssyncset.s32 $0xFFFFF086  }
0x25: {  	[simem:s6], [sflag:s4] =	dma.local [hbm:s3], $0xF7A  }
0x26: {  	[smem:$0x3FA0] =	sst s1;
	(tag) =	ssettag s2;
	_ =	strace s9  }
0x27: {  	s1 =	sld [smem:$0x3FB0]  }
0x28: {  	s2 =	sld [smem:$0x3FB1]  }
0x29: {  	s4 =	sld [smem:$0x3FB3]  }
0x2a: {  	p0 =	seq.s32 s5, $0x0;
	s5 =	sld [smem:$0x3FB4]  }
0x2b: {  	s6 =	sld [smem:$0x3FB5]  }
0x2c: {  	s7 =	sld [smem:$0x3FB6]  }
0x2d: {  	s3 =	simm.s32 $0x108;
	s8 =	sld [smem:$0x3FB7]  }
0x2e: {  	s3 =	simm.s32 @!p0 $0x1082;
	s9 =	sld [smem:$0x3FB8]  }
0x2f: {  	lr =	sadd.s32 s0, s3;
	s0 =	sld [smem:$0x3FAF]  }
0x30: {  	s3 =	sld [smem:$0x3FB2]  }
0x31: {  	[smem:$0x3FBB] =	sst s10  }
0x32: {  	s10 =	sld [smem:$0x3FB9];
	_ =	sdelay $0x3  }
0x33: {  	p0 =	seq.s32 s10, $0x1;
	s10 =	sld [smem:$0x3FBB];
	_ =	sdelay $0x3  }
0x34: {  	[smem:$0x3FBB] =	sst s10  }
0x35: {  	s10 =	sld [smem:$0x3FBA];
	_ =	sdelay $0x3  }
0x36: {  	p1 =	seq.s32 s10, $0x1;
	s10 =	sld [smem:$0x3FBB];
	_ =	sdelay $0x3  }
0x37: {  	[smem:$0x3FBB] =	sst s10  }
0x38: {  	s10 =	sld [smem:$0x3FBC]  }
0x39: {  	_ = 	snop;
	(pc) =	sbr.ind lr, $3  }
0x3a: {  	_ = 	snop  }
0x3b: {  	_ = 	snop  }
0x3c: {  	p2 =	seq.s32 s10, $0x1;
	s10 =	sld [smem:$0x3FBB]  }
0x3d: {  	_ =	shalt  }
0x3e: {  	_ =	shalt  }
0x3f: {  	_ =	shalt  }
0x40: {  	_ =	shalt  }
0x41: {  	_ =	shalt  }
0x42: {  	_ =	shalt  }
0x43: {  	_ =	shalt  }
0x44: {  	_ =	shalt  }
0x45: {  	_ =	shalt  }
0x46: {  	_ =	shalt  }
0x47: {  	_ =	shalt  }
0x48: {  	_ =	shalt  }
0x49: {  	_ =	shalt  }
0x4a: {  	_ =	shalt  }
0x4b: {  	_ =	shalt  }
0x4c: {  	_ =	shalt  }
0x4d: {  	_ =	shalt  }
0x4e: {  	_ =	shalt  }
0x4f: {  	_ =	shalt  }
0x50: {  	_ =	shalt  }
0x51: {  	_ =	shalt  }
0x52: {  	_ =	shalt  }
0x53: {  	_ =	shalt  }
0x54: {  	_ =	shalt  }
0x55: {  	_ =	shalt  }
0x56: {  	_ =	shalt  }
0x57: {  	_ =	shalt  }
0x58: {  	_ =	shalt  }
0x59: {  	_ =	shalt  }
0x5a: {  	_ =	shalt  }
0x5b: {  	_ =	shalt  }
0x5c: {  	_ =	shalt  }
0x5d: {  	_ =	shalt  }
0x5e: {  	_ =	shalt  }
0x5f: {  	_ =	shalt  }
0x60: {  	_ =	shalt  }
0x61: {  	_ =	shalt  }
0x62: {  	_ =	shalt  }
0x63: {  	_ =	shalt  }
0x64: {  	_ =	shalt  }
0x65: {  	_ =	shalt  }
0x66: {  	_ =	shalt  }
0x67: {  	_ =	shalt  }
0x68: {  	_ =	shalt  }
0x69: {  	_ =	shalt  }
0x6a: {  	_ =	shalt  }
0x6b: {  	_ =	shalt  }
0x6c: {  	_ =	shalt  }
0x6d: {  	_ =	shalt  }
0x6e: {  	_ =	shalt  }
0x6f: {  	_ =	shalt  }
0x70: {  	_ =	shalt  }
0x71: {  	_ =	shalt  }
0x72: {  	_ =	shalt  }
0x73: {  	_ =	shalt  }
0x74: {  	_ =	shalt  }
0x75: {  	_ =	shalt  }
0x76: {  	_ =	shalt  }
0x77: {  	_ =	shalt  }
0x78: {  	_ =	shalt  }
0x79: {  	_ =	shalt  }
0x7a: {  	_ =	shalt  }
0x7b: {  	_ =	shalt  }
0x7c: {  	_ =	shalt  }
0x7d: {  	_ =	shalt  }
0x7e: {  	_ =	shalt  }
0x7f: {  	_ =	shalt  }
0x80: {  	_ =	shalt  }
0x81: {  	_ =	shalt  }
0x82: {  	_ =	shalt  }
0x83: {  	_ =	shalt  }
0x84: {  	_ =	shalt  }
0x85: {  	_ =	shalt  }
0x86: {  	_ =	shalt  }
0x87: {  	_ =	shalt  }
.Lfunc_end0:
.L_simem_size_0:
called_computation_lowered:
.L_overlay_start_0:
0x88: {  	s2 =	sld [smem:$0x3FD9]  }
0x89: {  	s3 =	sld [smem:$0x3FFE];
	_ =	sdelay $0x1  }
0x8a: {  	s1 =	srdreg.scid  }
0x8b: {  	s0 =	sand.u32 $0x1, s1  }
0x8c: {  	s17 =	sshll.u32 s0, $0xA;
	s2 =	sadd.s32 s3, s2  }
0x8d: {  	s2 =	sadd.s32 s2, s17  }
0x8e: {  	[smem:$0x3FC7] =	sst s2  }
0x8f: {  	_ = 	snop  }
0x90: {  	s2 =	sld [smem:$0x3FC9];
	(tm) =	ssettm $0x1  }
0x91: {  	s18 =	sld [smem:$0x3FFB];
	_ =	sdelay $0x3  }
0x92: {  	_ =	strace s18  }
0x93: {  	s3 =	sld [smem:$0x3FFC];
	_ =	sdelay $0x3  }
0x94: {  	_ =	strace s3  }
0x95: {  	s3 =	sld [smem:$0x3FFD];
	_ =	sdelay $0x3  }
0x96: {  	_ =	strace s3  }
0x97: {  	_ =	strace $0x8FFFFFFF  }
0x98: {  	s19 =	sld [smem:$0x3FDB];
	_ =	sdelay $0x1  }
0x99: {  	s4 =	simm.s32 $_scs_section_size  }
0x9a: {  	s5 =	simm.s32 $_size__tile_overlayer_lowered;
	s6 =	simm.s32 $_tile_overlayer_lowered  }
0x9b: {  	s22 =	simm.s32 $0x1BFF;
	s21 =	sshll.u32 s6, $0x1;
	s3 =	sadd.s32 s4, s19  }
0x9c: {  	s7 =	simm.s32 $0x0;
	s20 =	sshll.u32 s5, $0x1;
	s5 =	sadd.s32 s21, s3  }
0x9d: {  	[timem:s7], [sflag:s22] =	dma.local [hbm:s5], s20  }
0x9e: {  	_ =	swait.ge [sflag:s22], s20  }
0x9f: {  	s4 =	ssub.s32 $0x0, s20;
	[sflag:s22] =	ssyncset.done $0x0  }
0xa0: {  	[sflag:s22] =	ssyncadd.s32 s4;
	_ =	sdelay $0x1  }
0xa1: {  	s23 =	simm.s32 $0x1B8B  }
0xa2: {  	_ =	swait.ge [sflag:s23], $0x1  }
0xa3: {  	[sflag:s23] =	ssyncset.done $0x0  }
0xa4: {  	s25 =	simm.s32 $0x1B8E;
	s24 =	sld [smem:$0x3FFE];
	[sflag:s23] =	ssyncadd.s32 $0xFFFFFFFF  }
0xa5: {  	s26 =	simm.s32 $execute0_lowered;
	[smem:$0x3FD2] =	sst s25  }
0xa6: {  	s5 =	sshll.u32 s26, $0x1;
	_ =	strace $0x80000046;
	[dreg:$0x1] =	wrdreg $0xFFFFFFFF  }
0xa7: {  	s28 =	simm.s32 $_size_execute0_lowered;
	s3 =	sadd.s32 s3, s5;
	[dreg:$0x0] =	wrdreg $0x0  }
0xa8: {  	s5 =	sshll.u32 s28, $0x1;
	[dreg:$0x2] =	wrdreg s3  }
0xa9: {  	[dreg:$0x3] =	wrdreg s5  }
0xaa: {  	[dreg:$0x4] =	wrdreg $0xC0  }
0xab: {  	_ =	task [dreg:s7], $0x5FFFF  }
0xac: {  	[dreg:$0x1] =	wrdreg $0xFFFFFFFF  }
0xad: {  	[dreg:$0x0] =	wrdreg $0x60  }
0xae: {  	[dreg:$0x2] =	wrdreg s2  }
0xaf: {  	[dreg:$0x3] =	wrdreg s24  }
0xb0: {  	[dreg:$0x4] =	wrdreg $0x9  }
0xb1: {  	_ =	task.clear_ibuf [dreg:s7], $0x5FFFF;
	_ =	strace $0x90000046  }
0xb2: {  	s29 =	simm.s32 $0x9;
	_ =	strace $0x80000048  }
0xb3: {  	_ =	swait.ge [sflag:s29], $0x1  }
0xb4: {  	[sflag:s29] =	ssyncadd.s32 $0xFFFFFFFF  }
0xb5: {  	_ =	strace $0x90000048  }
0xb6: {  	_ =	sfence  }
0xb7: {  	s30 =	sld [smem:$0x0];
	_ =	sdelay $0x2  }
0xb8: {  	s31 =	sshll.u32 s1, $0xD;
	s1 =	sshrl.u32 s1, $0x2  }
0xb9: {  	s3 =	sand.u32 $0x4000, s31;
	s1 =	sadd.s32 s1, s30  }
0xba: {  	s0 =	sor.u32 s3, s0;
	s1 =	sshll.u32 s1, $0x11  }
0xbb: {  	s0 =	sor.u32 s1, s0  }
0xbc: {  	s0 =	sadd.s32 $0x8F2B, s0  }
0xbd: {  	[sflag:s0] =	ssyncadd.remote.s32 $0x1  }
0xbe: {  	_ =	sfence.sel $0xFFFF  }
0xbf: {  	[dreg:$0x0] =	wrdreg $0xFFFFFFFF;
	(pc) =	sbr.abs _section_cstart, $3  }
0xc0: {  	[dreg:$0x1] =	wrdreg $0xFFFFFFFF  }
0xc1: {  	_ =	task.clear_ibuf [dreg:s7], $0x2FFFF;
	_ =	strace $0x9FFFFFFF  }
0xc2: {  	(tm) =	ssettm $0x7FFFFFFF  }
0xc3: {  	_ =	shalt  }
tec
execute0_lowered:
.L_overlay_start_1:
0x0: {  	(tag) =	ssettag $0x1  }
0x1: {  	v0 =	vimm.s32 $0xFEDCBA98;
	v1 =	vimm.s32 $0x76543210;
	v2 =	vimm.s32 $0xBA98FEDC  }
0x2: {  	s3 =	rddreg [dreg:$0x0];
	v3 =	vimm.s32 $0x32107654;
	v4 =	vimm.s32 $0xDCFE98BA;
	v5 =	vimm.s32 $0x54761032  }
0x3: {  	s2 =	rddreg [dreg:$0x1];
	v6 =	vimm.s32 $0xEFCDAB89;
	v7 =	vimm.s32 $0x67452301;
	vm0 =	vcmask $0x310  }
0x4: {  	s0 =	rddreg [dreg:$0x2];
	s1 =	simm.s32 $0x0;
	v0 =	vunpack.c.l.s4.s8 v0;
	v1 =	vunpack.c.l.s4.s8 v1;
	v2 =	vunpack.c.l.s4.s8 v2  }
0x5: {  	s4 =	srdreg.scid;
	v3 =	vunpack.c.l.s4.s8 v3;
	v4 =	vunpack.c.l.s4.s8 v4;
	[smem:$0x7FF] =	sst s1;
	v5 =	vunpack.c.l.s4.s8 v5  }
0x6: {  	s10 =	simm.s32 $0x0;
	s4 =	sand.u32 $0x1, s4;
	v6 =	vunpack.c.l.s4.s8 v6;
	v7 =	vunpack.c.l.s4.s8 v7;
	_ =	strace $0x80000047;
	v0 =	vunpack.c.0.s8.s32 v0  }
0x7: {  	s5 =	sshll.u32 s4, $0x4;
	s6 =	ssub.s32 $0x2, s4;
	s4 =	sshll.u32 s4, $0x6;
	v2 =	vunpack.c.0.s8.s32 v2;
	v3 =	vunpack.c.0.s8.s32 v3;
	v4 =	vunpack.c.0.s8.s32 v4  }
0x8: {  	s5 =	sadd.s32 s5, s2;
	s2 =	stileid.u32;
	v5 =	vunpack.c.0.s8.s32 v5;
	v6 =	vunpack.c.0.s8.s32 v6;
	v7 =	vunpack.c.0.s8.s32 v7;
	s7 =	sshrl.u32 s6, $0x1  }
0x9: {  	vm1 =	vcmask $0x710;
	v1 =	vunpack.c.0.s8.s32 v1;
	s3 =	sadd.s32 s3, s4;
	s8 =	sshll.u32 s2, $0x5;
	s9 =	sshll.u32 s2, $0xD;
	v2 =	vcombine.low v3, v2  }
0xa: {  	s31 =	ssub.s32 s6, s7;
	s6 =	simm.s32 $0x200;
	s7 =	simm.s32 $0x400;
	v3 =	vcombine.low v5, v4;
	v4 =	vand.u32 $0xF, v0;
	v5 =	vcombine.low v7, v6  }
0xb: {  	vm2 =	vcmask $0xB10;
	s30 =	sadd.s32 s8, s5;
	s3 =	sadd.s32 s9, s3;
	v0 =	vlaneseq.u32;
	s5 =	smax.u32 s31, $0x1;
	v1 =	vcombine.low v4, v1  }
0xc: {  	s8 =	simm.s32 $0x1;
	s9 =	simm.s32 $0x8000;
	s4 =	sadd.s32 $0x400, s30;
	v2 =	vand.u32 $0xF, v2;
	v3 =	vand.u32 $0xF, v3;
	v4 =	vand.u32 $0xF, v5  }
.LBB2_1:
0xd: {  	[tilespmem:s1], [sflag:$0x1] =	stream.strided.gather [hbm4b:s3+s6], $0x8000, s7, s6, $0x38;
	[tilespmem:$0x8080] =	vst v63  }
0xe: {  	_ =	swait.ge [sflag:s8], $0x8000  }
0xf: {  	[sflag:s8] =	ssyncset.done $0x0  }
0x10: {  	s11 =	simm.s32 $0x0;
	[sflag:s8] =	ssyncadd.s32 $0xFFFF8000  }
0x11: {  	v6 =	vimm.f32 $+Inf;
	v5 =	vimm.s32 $0x0;
	v7 =	vld [tilespmem:s11+$0x0]  }
0x12: {  	v8 =	vor.u32 $0xD, v5;
	v10 =	vor.u32 $0xA, v5;
	v11 =	vor.u32 $0xB, v5;
	v9 =	vld [tilespmem:s11+$0x10]  }
0x13: {  	v12 =	vor.u32 $0xC, v5;
	v14 =	vor.u32 $0x7, v5;
	v15 =	vor.u32 $0x8, v5;
	v13 =	vld [tilespmem:s11+$0x20]  }
0x14: {  	v16 =	vor.u32 $0x9, v5;
	v18 =	vor.u32 $0x4, v5;
	v19 =	vor.u32 $0x5, v5;
	v17 =	vld [tilespmem:s11+$0x30]  }
0x15: {  	v20 =	vor.u32 $0x6, v5;
	v21 =	vor.u32 $0x2, v5;
	v22 =	vor.u32 $0x3, v5;
	v23 =	vld [tilespmem:s11+$0x40]  }
0x16: {  	v24 =	vld [tilespmem:s11+$0x50];
	vm3 =	vlt.f32 v7, v6;
	v6 =	vmin.f32 v6, v7;
	v7 =	vor.u32 $0x1, v5  }
0x17: {  	v25 =	vsel vm3, v5, v5;
	vm3 =	vlt.f32 v9, v6;
	v6 =	vmin.f32 v6, v9;
	v9 =	vld [tilespmem:s11+$0x60]  }
0x18: {  	v56 =	vld [tilespmem:s11+$0x70];
	v7 =	vsel vm3, v7, v25;
	vm3 =	vlt.f32 v13, v6;
	v6 =	vmin.f32 v6, v13  }
0x19: {  	v57 =	vld [tilespmem:s11+$0x200];
	v7 =	vsel vm3, v21, v7;
	vm3 =	vlt.f32 v17, v6;
	v6 =	vmin.f32 v6, v17  }
0x1a: {  	v58 =	vld [tilespmem:s11+$0x210];
	v7 =	vsel vm3, v22, v7;
	vm3 =	vlt.f32 v23, v6;
	v6 =	vmin.f32 v6, v23  }
0x1b: {  	v59 =	vld [tilespmem:s11+$0x220];
	v7 =	vsel vm3, v18, v7;
	vm3 =	vlt.f32 v24, v6;
	v6 =	vmin.f32 v6, v24  }
0x1c: {  	v7 =	vsel vm3, v19, v7;
	vm3 =	vlt.f32 v9, v6;
	v6 =	vmin.f32 v6, v9;
	v9 =	vld [tilespmem:s11+$0x230]  }
0x1d: {  	v60 =	vld [tilespmem:s11+$0x240];
	v7 =	vsel vm3, v20, v7;
	vm3 =	vlt.f32 v56, v6;
	v6 =	vmin.f32 v6, v56  }
0x1e: {  	v61 =	vld [tilespmem:s11+$0x250];
	v7 =	vsel vm3, v14, v7;
	vm3 =	vlt.f32 v57, v6;
	v6 =	vmin.f32 v6, v57  }
0x1f: {  	v62 =	vld [tilespmem:s11+$0x260];
	v7 =	vsel vm3, v15, v7;
	vm3 =	vlt.f32 v58, v6;
	v6 =	vmin.f32 v6, v58  }
0x20: {  	v7 =	vsel vm3, v16, v7;
	vm3 =	vlt.f32 v59, v6;
	v6 =	vmin.f32 v6, v59  }
0x21: {  	v63 =	vld [tilespmem:s11+$0x270];
	v7 =	vsel vm3, v10, v7;
	vm3 =	vlt.f32 v9, v6;
	v6 =	vmin.f32 v6, v9  }
0x22: {  	v7 =	vsel vm3, v11, v7;
	vm3 =	vlt.f32 v60, v6;
	v6 =	vmin.f32 v6, v60  }
0x23: {  	v7 =	vsel vm3, v12, v7;
	vm3 =	vlt.f32 v61, v6;
	v6 =	vmin.f32 v6, v61  }
0x24: {  	v9 =	vor.u32 $0xE, v5;
	v7 =	vsel vm3, v8, v7;
	vm3 =	vlt.f32 v62, v6  }
0x25: {  	v6 =	vmin.f32 v6, v62;
	v8 =	vsel vm3, v9, v7  }
0x26: {  	s11 =	simm.s32 $0x1000;
	vm3 =	vlt.f32 v63, v6;
	v7 =	vmin.f32 v6, v63;
	v6 =	vimm.s32 $0x0  }
.LBB2_2:
0x27: {  	s12 =	sshra.s32 s11, $0x2;
	p0 =	sne.s32 s11, $0x1F000;
	s11 =	sadd.s32 $0x1000, s11;
	v5 =	vadd.s32 $0x10, v5  }
0x28: {  	v12 =	vor.u32 $0xF, v6;
	v9 =	vld [tilespmem:s12+$0x0];
	v10 =	vor.u32 $0xD, v5;
	v11 =	vor.u32 $0xE, v5;
	v6 =	vmovc v5  }
0x29: {  	v14 =	vor.u32 $0xA, v5;
	v15 =	vor.u32 $0xB, v5;
	v16 =	vor.u32 $0xC, v5;
	v13 =	vld [tilespmem:s12+$0x10]  }
0x2a: {  	v18 =	vor.u32 $0x7, v5;
	v19 =	vor.u32 $0x8, v5;
	v20 =	vor.u32 $0x9, v5;
	v17 =	vld [tilespmem:s12+$0x20]  }
0x2b: {  	v22 =	vor.u32 $0x4, v5;
	v23 =	vor.u32 $0x5, v5;
	v24 =	vor.u32 $0x6, v5;
	v21 =	vld [tilespmem:s12+$0x30]  }
0x2c: {  	v25 =	vor.u32 $0x2, v5;
	v26 =	vor.u32 $0x3, v5;
	v8 =	vsel vm3, v12, v8;
	v27 =	vld [tilespmem:s12+$0x40]  }
0x2d: {  	vm3 =	vlt.f32 v9, v7;
	v7 =	vmin.f32 v7, v9;
	v9 =	vor.u32 $0x1, v5;
	v12 =	vld [tilespmem:s12+$0x50]  }
0x2e: {  	v8 =	vsel vm3, v5, v8;
	vm3 =	vlt.f32 v13, v7;
	v7 =	vmin.f32 v7, v13;
	v13 =	vld [tilespmem:s12+$0x60]  }
0x2f: {  	v8 =	vsel vm3, v9, v8;
	vm3 =	vlt.f32 v17, v7;
	v7 =	vmin.f32 v7, v17;
	v9 =	vld [tilespmem:s12+$0x70]  }
0x30: {  	v8 =	vsel vm3, v25, v8;
	vm3 =	vlt.f32 v21, v7;
	v7 =	vmin.f32 v7, v21;
	v17 =	vld [tilespmem:s12+$0x200]  }
0x31: {  	v8 =	vsel vm3, v26, v8;
	vm3 =	vlt.f32 v27, v7;
	v7 =	vmin.f32 v7, v27;
	v21 =	vld [tilespmem:s12+$0x210]  }
0x32: {  	v8 =	vsel vm3, v22, v8;
	vm3 =	vlt.f32 v12, v7;
	v7 =	vmin.f32 v7, v12;
	v12 =	vld [tilespmem:s12+$0x220]  }
0x33: {  	v8 =	vsel vm3, v23, v8;
	vm3 =	vlt.f32 v13, v7;
	v7 =	vmin.f32 v7, v13;
	v13 =	vld [tilespmem:s12+$0x230]  }
0x34: {  	v8 =	vsel vm3, v24, v8;
	vm3 =	vlt.f32 v9, v7;
	v7 =	vmin.f32 v7, v9;
	v9 =	vld [tilespmem:s12+$0x240]  }
0x35: {  	v8 =	vsel vm3, v18, v8;
	vm3 =	vlt.f32 v17, v7;
	v7 =	vmin.f32 v7, v17;
	v17 =	vld [tilespmem:s12+$0x250]  }
0x36: {  	v8 =	vsel vm3, v19, v8;
	vm3 =	vlt.f32 v21, v7;
	v7 =	vmin.f32 v7, v21;
	v18 =	vld [tilespmem:s12+$0x260]  }
0x37: {  	v8 =	vsel vm3, v20, v8;
	vm3 =	vlt.f32 v12, v7;
	v7 =	vmin.f32 v7, v12;
	v12 =	vld [tilespmem:s12+$0x270]  }
.Ltmp0:
0x38: {  	v8 =	vsel vm3, v14, v8;
	vm3 =	vlt.f32 v13, v7;
	v7 =	vmin.f32 v7, v13;
	(pc) =	sbr.rel @p0 .LBB2_2-.Ltmp0, $4  }
0x39: {  	v8 =	vsel vm3, v15, v8;
	vm3 =	vlt.f32 v9, v7;
	v7 =	vmin.f32 v7, v9  }
0x3a: {  	v8 =	vsel vm3, v16, v8;
	vm3 =	vlt.f32 v17, v7;
	v7 =	vmin.f32 v7, v17  }
0x3b: {  	v8 =	vsel vm3, v10, v8;
	vm3 =	vlt.f32 v18, v7;
	v7 =	vmin.f32 v7, v18  }
0x3c: {  	v8 =	vsel vm3, v11, v8;
	vm3 =	vlt.f32 v12, v7;
	v7 =	vmin.f32 v7, v12  }
0x3d: {  	v5 =	vor.u32 $0xF, v6  }
0x3e: {  	v5 =	vsel vm3, v5, v8  }
0x3f: {  	v5 =	vshll.u32 v5, $0x4  }
0x40: {  	v5 =	vor.u32 v0, v5  }
0x41: {  	v6 =	vperm.xlane v7, v1;
	v8 =	vperm.xlane v5, v1;
	_ =	sdelay $0x1  }
0x42: {  	vm3 =	veq.f32 v6, v7;
	vm4 =	vlt.s32 v8, v5  }
0x43: {  	vm5 =	vlt.f32 v6, v7;
	vm3 =	vmand vm3, vm4  }
0x44: {  	vm3 =	vmor vm5, vm3  }
0x45: {  	v6 =	vsel vm3, v6, v7;
	v5 =	vsel vm3, v8, v5  }
0x46: {  	v7 =	vperm.xlane v6, v2;
	v8 =	vperm.xlane v5, v2;
	_ =	sdelay $0x1  }
0x47: {  	vm3 =	veq.f32 v7, v6;
	vm4 =	vlt.s32 v8, v5  }
0x48: {  	v9 =	vimm.s32 $0x0;
	vm5 =	vlt.f32 v7, v6;
	vm3 =	vmand vm3, vm4  }
0x49: {  	v11 =	vor.u32 $0xD, v9;
	vm3 =	vmor vm5, vm3  }
0x4a: {  	v13 =	vor.u32 $0xA, v9;
	v6 =	vsel vm3, v7, v6;
	v5 =	vsel vm3, v8, v5  }
0x4b: {  	v14 =	vor.u32 $0xB, v9;
	v7 =	vperm.xlane v6, v3;
	v8 =	vperm.xlane v5, v3  }
0x4c: {  	s11 =	simm.s32 $0x0;
	v15 =	vor.u32 $0xC, v9;
	v17 =	vor.u32 $0x7, v9;
	v18 =	vor.u32 $0x8, v9  }
0x4d: {  	v10 =	vld [tilespmem:s11+$0x80];
	v19 =	vor.u32 $0x9, v9;
	vm3 =	veq.f32 v7, v6;
	vm4 =	vlt.s32 v8, v5  }
0x4e: {  	v12 =	vld [tilespmem:s11+$0x90];
	v21 =	vor.u32 $0x4, v9;
	vm5 =	vlt.f32 v7, v6;
	vm3 =	vmand vm3, vm4  }
0x4f: {  	v16 =	vld [tilespmem:s11+$0xA0];
	v22 =	vor.u32 $0x5, v9;
	v23 =	vor.u32 $0x6, v9;
	vm3 =	vmor vm5, vm3  }
0x50: {  	v20 =	vld [tilespmem:s11+$0xB0];
	v24 =	vor.u32 $0x2, v9;
	v25 =	vor.u32 $0x3, v9;
	v6 =	vsel vm3, v7, v6  }
0x51: {  	v26 =	vld [tilespmem:s11+$0xC0];
	v5 =	vsel vm3, v8, v5;
	v8 =	vimm.f32 $+Inf;
	v7 =	vperm.xlane v6, v4  }
0x52: {  	v27 =	vld [tilespmem:s11+$0xD0];
	vm3 =	vlt.f32 v10, v8;
	v8 =	vmin.f32 v8, v10;
	v10 =	vor.u32 $0x1, v9  }
0x53: {  	v28 =	vsel vm3, v9, v9;
	vm3 =	vlt.f32 v12, v8;
	v8 =	vmin.f32 v8, v12;
	v12 =	vld [tilespmem:s11+$0xE0]  }
0x54: {  	v56 =	vld [tilespmem:s11+$0xF0];
	v10 =	vsel vm3, v10, v28;
	vm3 =	vlt.f32 v16, v8;
	v8 =	vmin.f32 v8, v16  }
0x55: {  	v57 =	vld [tilespmem:s11+$0x280];
	v10 =	vsel vm3, v24, v10;
	vm3 =	vlt.f32 v20, v8;
	v8 =	vmin.f32 v8, v20  }
0x56: {  	v58 =	vld [tilespmem:s11+$0x290];
	v10 =	vsel vm3, v25, v10;
	vm3 =	vlt.f32 v26, v8;
	v8 =	vmin.f32 v8, v26  }
0x57: {  	v59 =	vld [tilespmem:s11+$0x2A0];
	v10 =	vsel vm3, v21, v10;
	vm3 =	vlt.f32 v27, v8;
	v8 =	vmin.f32 v8, v27  }
0x58: {  	v10 =	vsel vm3, v22, v10;
	vm3 =	vlt.f32 v12, v8;
	v8 =	vmin.f32 v8, v12;
	v12 =	vld [tilespmem:s11+$0x2B0]  }
0x59: {  	v60 =	vld [tilespmem:s11+$0x2C0];
	v10 =	vsel vm3, v23, v10;
	vm3 =	vlt.f32 v56, v8;
	v8 =	vmin.f32 v8, v56  }
0x5a: {  	v61 =	vld [tilespmem:s11+$0x2D0];
	v10 =	vsel vm3, v17, v10;
	vm3 =	vlt.f32 v57, v8;
	v8 =	vmin.f32 v8, v57  }
0x5b: {  	v62 =	vld [tilespmem:s11+$0x2E0];
	v10 =	vsel vm3, v18, v10;
	vm3 =	vlt.f32 v58, v8;
	v8 =	vmin.f32 v8, v58  }
0x5c: {  	v10 =	vsel vm3, v19, v10;
	vm3 =	vlt.f32 v59, v8;
	v8 =	vmin.f32 v8, v59  }
0x5d: {  	v63 =	vld [tilespmem:s11+$0x2F0];
	v10 =	vsel vm3, v13, v10;
	vm3 =	vlt.f32 v12, v8;
	v8 =	vmin.f32 v8, v12  }
0x5e: {  	v10 =	vsel vm3, v14, v10;
	vm3 =	vlt.f32 v60, v8;
	v8 =	vmin.f32 v8, v60  }
0x5f: {  	v10 =	vsel vm3, v15, v10;
	vm3 =	vlt.f32 v61, v8;
	v12 =	vmin.f32 v8, v61  }
0x60: {  	v13 =	vor.u32 $0xE, v9;
	v10 =	vsel vm3, v11, v10;
	vm3 =	vlt.f32 v62, v12  }
0x61: {  	v8 =	vperm.xlane v5, v4;
	v11 =	vmin.f32 v12, v62;
	v12 =	vsel vm3, v13, v10  }
0x62: {  	s11 =	simm.s32 $0x1000;
	vm3 =	vlt.f32 v63, v11;
	v11 =	vmin.f32 v11, v63;
	v10 =	vimm.s32 $0x0  }
.LBB2_4:
0x63: {  	s12 =	sshra.s32 s11, $0x2;
	p0 =	sne.s32 s11, $0x1F000;
	s11 =	sadd.s32 $0x1000, s11;
	v9 =	vadd.s32 $0x10, v9  }
0x64: {  	v16 =	vor.u32 $0xF, v10;
	v13 =	vld [tilespmem:s12+$0x80];
	v14 =	vor.u32 $0xD, v9;
	v15 =	vor.u32 $0xE, v9;
	v10 =	vmovc v9  }
0x65: {  	v18 =	vor.u32 $0xA, v9;
	v19 =	vor.u32 $0xB, v9;
	v20 =	vor.u32 $0xC, v9;
	v17 =	vld [tilespmem:s12+$0x90]  }
0x66: {  	v22 =	vor.u32 $0x7, v9;
	v23 =	vor.u32 $0x8, v9;
	v24 =	vor.u32 $0x9, v9;
	v21 =	vld [tilespmem:s12+$0xA0]  }
0x67: {  	v26 =	vor.u32 $0x4, v9;
	v27 =	vor.u32 $0x5, v9;
	v28 =	vor.u32 $0x6, v9;
	v25 =	vld [tilespmem:s12+$0xB0]  }
0x68: {  	v29 =	vor.u32 $0x2, v9;
	v30 =	vor.u32 $0x3, v9;
	v12 =	vsel vm3, v16, v12;
	v31 =	vld [tilespmem:s12+$0xC0]  }
0x69: {  	vm3 =	vlt.f32 v13, v11;
	v11 =	vmin.f32 v11, v13;
	v13 =	vor.u32 $0x1, v9;
	v16 =	vld [tilespmem:s12+$0xD0]  }
0x6a: {  	v12 =	vsel vm3, v9, v12;
	vm3 =	vlt.f32 v17, v11;
	v11 =	vmin.f32 v11, v17;
	v17 =	vld [tilespmem:s12+$0xE0]  }
0x6b: {  	v12 =	vsel vm3, v13, v12;
	vm3 =	vlt.f32 v21, v11;
	v11 =	vmin.f32 v11, v21;
	v13 =	vld [tilespmem:s12+$0xF0]  }
0x6c: {  	v12 =	vsel vm3, v29, v12;
	vm3 =	vlt.f32 v25, v11;
	v11 =	vmin.f32 v11, v25;
	v21 =	vld [tilespmem:s12+$0x280]  }
0x6d: {  	v12 =	vsel vm3, v30, v12;
	vm3 =	vlt.f32 v31, v11;
	v11 =	vmin.f32 v11, v31;
	v25 =	vld [tilespmem:s12+$0x290]  }
0x6e: {  	v12 =	vsel vm3, v26, v12;
	vm3 =	vlt.f32 v16, v11;
	v11 =	vmin.f32 v11, v16;
	v16 =	vld [tilespmem:s12+$0x2A0]  }
0x6f: {  	v12 =	vsel vm3, v27, v12;
	vm3 =	vlt.f32 v17, v11;
	v11 =	vmin.f32 v11, v17;
	v17 =	vld [tilespmem:s12+$0x2B0]  }
0x70: {  	v12 =	vsel vm3, v28, v12;
	vm3 =	vlt.f32 v13, v11;
	v11 =	vmin.f32 v11, v13;
	v13 =	vld [tilespmem:s12+$0x2C0]  }
0x71: {  	v12 =	vsel vm3, v22, v12;
	vm3 =	vlt.f32 v21, v11;
	v11 =	vmin.f32 v11, v21;
	v21 =	vld [tilespmem:s12+$0x2D0]  }
0x72: {  	v12 =	vsel vm3, v23, v12;
	vm3 =	vlt.f32 v25, v11;
	v11 =	vmin.f32 v11, v25;
	v22 =	vld [tilespmem:s12+$0x2E0]  }
0x73: {  	v12 =	vsel vm3, v24, v12;
	vm3 =	vlt.f32 v16, v11;
	v11 =	vmin.f32 v11, v16;
	v16 =	vld [tilespmem:s12+$0x2F0]  }
.Ltmp1:
0x74: {  	v12 =	vsel vm3, v18, v12;
	vm3 =	vlt.f32 v17, v11;
	v11 =	vmin.f32 v11, v17;
	(pc) =	sbr.rel @p0 .LBB2_4-.Ltmp1, $4  }
0x75: {  	v12 =	vsel vm3, v19, v12;
	vm3 =	vlt.f32 v13, v11;
	v11 =	vmin.f32 v11, v13  }
0x76: {  	v12 =	vsel vm3, v20, v12;
	vm3 =	vlt.f32 v21, v11;
	v11 =	vmin.f32 v11, v21  }
0x77: {  	v12 =	vsel vm3, v14, v12;
	vm3 =	vlt.f32 v22, v11;
	v11 =	vmin.f32 v11, v22  }
0x78: {  	v12 =	vsel vm3, v15, v12;
	vm3 =	vlt.f32 v16, v11;
	v11 =	vmin.f32 v11, v16  }
0x79: {  	v9 =	vor.u32 $0xF, v10  }
0x7a: {  	v9 =	vsel vm3, v9, v12  }
0x7b: {  	v9 =	vshll.u32 v9, $0x4  }
0x7c: {  	v9 =	vor.u32 v0, v9  }
0x7d: {  	v10 =	vperm.xlane v11, v1;
	v12 =	vperm.xlane v9, v1;
	_ =	sdelay $0x1  }
0x7e: {  	vm3 =	veq.f32 v10, v11;
	vm4 =	vlt.s32 v12, v9  }
0x7f: {  	vm5 =	vlt.f32 v10, v11;
	vm3 =	vmand vm3, vm4  }
0x80: {  	vm3 =	vmor vm5, vm3  }
0x81: {  	v10 =	vsel vm3, v10, v11;
	v9 =	vsel vm3, v12, v9  }
0x82: {  	v11 =	vperm.xlane v10, v2;
	v12 =	vperm.xlane v9, v2;
	_ =	sdelay $0x1  }
0x83: {  	vm3 =	veq.f32 v11, v10;
	vm4 =	vlt.s32 v12, v9  }
0x84: {  	v13 =	vimm.s32 $0x0;
	vm5 =	vlt.f32 v11, v10;
	vm3 =	vmand vm3, vm4  }
0x85: {  	v15 =	vor.u32 $0xD, v13;
	vm3 =	vmor vm5, vm3  }
0x86: {  	v17 =	vor.u32 $0xA, v13;
	v10 =	vsel vm3, v11, v10;
	v9 =	vsel vm3, v12, v9  }
0x87: {  	v18 =	vor.u32 $0xB, v13;
	v11 =	vperm.xlane v10, v3;
	v12 =	vperm.xlane v9, v3  }
0x88: {  	s11 =	simm.s32 $0x0;
	v19 =	vor.u32 $0xC, v13;
	v21 =	vor.u32 $0x7, v13;
	v22 =	vor.u32 $0x8, v13  }
0x89: {  	v14 =	vld [tilespmem:s11+$0x100];
	v23 =	vor.u32 $0x9, v13;
	vm3 =	veq.f32 v11, v10;
	vm4 =	vlt.s32 v12, v9  }
0x8a: {  	v16 =	vld [tilespmem:s11+$0x110];
	v25 =	vor.u32 $0x4, v13;
	vm5 =	vlt.f32 v11, v10;
	vm3 =	vmand vm3, vm4  }
0x8b: {  	v20 =	vld [tilespmem:s11+$0x120];
	v26 =	vor.u32 $0x5, v13;
	v27 =	vor.u32 $0x6, v13;
	vm3 =	vmor vm5, vm3  }
0x8c: {  	v24 =	vld [tilespmem:s11+$0x130];
	v28 =	vor.u32 $0x2, v13;
	v29 =	vor.u32 $0x3, v13;
	v10 =	vsel vm3, v11, v10  }
0x8d: {  	v30 =	vld [tilespmem:s11+$0x140];
	v9 =	vsel vm3, v12, v9;
	v12 =	vimm.f32 $+Inf;
	v11 =	vperm.xlane v10, v4  }
0x8e: {  	v31 =	vld [tilespmem:s11+$0x150];
	vm3 =	vlt.f32 v14, v12;
	v12 =	vmin.f32 v12, v14;
	v14 =	vor.u32 $0x1, v13  }
0x8f: {  	v32 =	vsel vm3, v13, v13;
	vm3 =	vlt.f32 v16, v12;
	v12 =	vmin.f32 v12, v16;
	v16 =	vld [tilespmem:s11+$0x160]  }
0x90: {  	v56 =	vld [tilespmem:s11+$0x170];
	v14 =	vsel vm3, v14, v32;
	vm3 =	vlt.f32 v20, v12;
	v12 =	vmin.f32 v12, v20  }
0x91: {  	v57 =	vld [tilespmem:s11+$0x300];
	v14 =	vsel vm3, v28, v14;
	vm3 =	vlt.f32 v24, v12;
	v12 =	vmin.f32 v12, v24  }
0x92: {  	v58 =	vld [tilespmem:s11+$0x310];
	v14 =	vsel vm3, v29, v14;
	vm3 =	vlt.f32 v30, v12;
	v12 =	vmin.f32 v12, v30  }
0x93: {  	v59 =	vld [tilespmem:s11+$0x320];
	v14 =	vsel vm3, v25, v14;
	vm3 =	vlt.f32 v31, v12;
	v12 =	vmin.f32 v12, v31  }
0x94: {  	v14 =	vsel vm3, v26, v14;
	vm3 =	vlt.f32 v16, v12;
	v12 =	vmin.f32 v12, v16;
	v16 =	vld [tilespmem:s11+$0x330]  }
0x95: {  	v60 =	vld [tilespmem:s11+$0x340];
	v14 =	vsel vm3, v27, v14;
	vm3 =	vlt.f32 v56, v12;
	v12 =	vmin.f32 v12, v56  }
0x96: {  	v61 =	vld [tilespmem:s11+$0x350];
	v14 =	vsel vm3, v21, v14;
	vm3 =	vlt.f32 v57, v12;
	v12 =	vmin.f32 v12, v57  }
0x97: {  	v62 =	vld [tilespmem:s11+$0x360];
	v14 =	vsel vm3, v22, v14;
	vm3 =	vlt.f32 v58, v12;
	v12 =	vmin.f32 v12, v58  }
0x98: {  	v14 =	vsel vm3, v23, v14;
	vm3 =	vlt.f32 v59, v12;
	v12 =	vmin.f32 v12, v59  }
0x99: {  	v63 =	vld [tilespmem:s11+$0x370];
	v14 =	vsel vm3, v17, v14;
	vm3 =	vlt.f32 v16, v12;
	v12 =	vmin.f32 v12, v16  }
0x9a: {  	v14 =	vsel vm3, v18, v14;
	vm3 =	vlt.f32 v60, v12;
	v12 =	vmin.f32 v12, v60  }
0x9b: {  	v14 =	vsel vm3, v19, v14;
	vm3 =	vlt.f32 v61, v12;
	v16 =	vmin.f32 v12, v61  }
0x9c: {  	v17 =	vor.u32 $0xE, v13;
	v14 =	vsel vm3, v15, v14;
	vm3 =	vlt.f32 v62, v16  }
0x9d: {  	v12 =	vperm.xlane v9, v4;
	v15 =	vmin.f32 v16, v62;
	v16 =	vsel vm3, v17, v14  }
0x9e: {  	s11 =	simm.s32 $0x1000;
	vm3 =	vlt.f32 v63, v15;
	v15 =	vmin.f32 v15, v63;
	v14 =	vimm.s32 $0x0  }
.LBB2_6:
0x9f: {  	s12 =	sshra.s32 s11, $0x2;
	p0 =	sne.s32 s11, $0x1F000;
	s11 =	sadd.s32 $0x1000, s11;
	v13 =	vadd.s32 $0x10, v13  }
0xa0: {  	v20 =	vor.u32 $0xF, v14;
	v17 =	vld [tilespmem:s12+$0x100];
	v18 =	vor.u32 $0xD, v13;
	v19 =	vor.u32 $0xE, v13;
	v14 =	vmovc v13  }
0xa1: {  	v22 =	vor.u32 $0xA, v13;
	v23 =	vor.u32 $0xB, v13;
	v24 =	vor.u32 $0xC, v13;
	v21 =	vld [tilespmem:s12+$0x110]  }
0xa2: {  	v26 =	vor.u32 $0x7, v13;
	v27 =	vor.u32 $0x8, v13;
	v28 =	vor.u32 $0x9, v13;
	v25 =	vld [tilespmem:s12+$0x120]  }
0xa3: {  	v30 =	vor.u32 $0x4, v13;
	v31 =	vor.u32 $0x5, v13;
	v32 =	vor.u32 $0x6, v13;
	v29 =	vld [tilespmem:s12+$0x130]  }
0xa4: {  	v33 =	vor.u32 $0x2, v13;
	v34 =	vor.u32 $0x3, v13;
	v16 =	vsel vm3, v20, v16;
	v35 =	vld [tilespmem:s12+$0x140]  }
0xa5: {  	vm3 =	vlt.f32 v17, v15;
	v15 =	vmin.f32 v15, v17;
	v17 =	vor.u32 $0x1, v13;
	v20 =	vld [tilespmem:s12+$0x150]  }
0xa6: {  	v16 =	vsel vm3, v13, v16;
	vm3 =	vlt.f32 v21, v15;
	v15 =	vmin.f32 v15, v21;
	v21 =	vld [tilespmem:s12+$0x160]  }
0xa7: {  	v16 =	vsel vm3, v17, v16;
	vm3 =	vlt.f32 v25, v15;
	v15 =	vmin.f32 v15, v25;
	v17 =	vld [tilespmem:s12+$0x170]  }
0xa8: {  	v16 =	vsel vm3, v33, v16;
	vm3 =	vlt.f32 v29, v15;
	v15 =	vmin.f32 v15, v29;
	v25 =	vld [tilespmem:s12+$0x300]  }
0xa9: {  	v16 =	vsel vm3, v34, v16;
	vm3 =	vlt.f32 v35, v15;
	v15 =	vmin.f32 v15, v35;
	v29 =	vld [tilespmem:s12+$0x310]  }
0xaa: {  	v16 =	vsel vm3, v30, v16;
	vm3 =	vlt.f32 v20, v15;
	v15 =	vmin.f32 v15, v20;
	v20 =	vld [tilespmem:s12+$0x320]  }
0xab: {  	v16 =	vsel vm3, v31, v16;
	vm3 =	vlt.f32 v21, v15;
	v15 =	vmin.f32 v15, v21;
	v21 =	vld [tilespmem:s12+$0x330]  }
0xac: {  	v16 =	vsel vm3, v32, v16;
	vm3 =	vlt.f32 v17, v15;
	v15 =	vmin.f32 v15, v17;
	v17 =	vld [tilespmem:s12+$0x340]  }
0xad: {  	v16 =	vsel vm3, v26, v16;
	vm3 =	vlt.f32 v25, v15;
	v15 =	vmin.f32 v15, v25;
	v25 =	vld [tilespmem:s12+$0x350]  }
0xae: {  	v16 =	vsel vm3, v27, v16;
	vm3 =	vlt.f32 v29, v15;
	v15 =	vmin.f32 v15, v29;
	v26 =	vld [tilespmem:s12+$0x360]  }
0xaf: {  	v16 =	vsel vm3, v28, v16;
	vm3 =	vlt.f32 v20, v15;
	v15 =	vmin.f32 v15, v20;
	v20 =	vld [tilespmem:s12+$0x370]  }
.Ltmp2:
0xb0: {  	v16 =	vsel vm3, v22, v16;
	vm3 =	vlt.f32 v21, v15;
	v15 =	vmin.f32 v15, v21;
	(pc) =	sbr.rel @p0 .LBB2_6-.Ltmp2, $4  }
0xb1: {  	v16 =	vsel vm3, v23, v16;
	vm3 =	vlt.f32 v17, v15;
	v15 =	vmin.f32 v15, v17  }
0xb2: {  	v16 =	vsel vm3, v24, v16;
	vm3 =	vlt.f32 v25, v15;
	v15 =	vmin.f32 v15, v25  }
0xb3: {  	v16 =	vsel vm3, v18, v16;
	vm3 =	vlt.f32 v26, v15;
	v15 =	vmin.f32 v15, v26  }
0xb4: {  	v16 =	vsel vm3, v19, v16;
	vm3 =	vlt.f32 v20, v15;
	v15 =	vmin.f32 v15, v20  }
0xb5: {  	v13 =	vor.u32 $0xF, v14  }
0xb6: {  	v13 =	vsel vm3, v13, v16  }
0xb7: {  	v13 =	vshll.u32 v13, $0x4  }
0xb8: {  	v13 =	vor.u32 v0, v13  }
0xb9: {  	v14 =	vperm.xlane v15, v1;
	v16 =	vperm.xlane v13, v1;
	_ =	sdelay $0x1  }
0xba: {  	vm3 =	veq.f32 v14, v15;
	vm4 =	vlt.s32 v16, v13  }
0xbb: {  	vm5 =	vlt.f32 v14, v15;
	vm3 =	vmand vm3, vm4  }
0xbc: {  	vm3 =	vmor vm5, vm3  }
0xbd: {  	v14 =	vsel vm3, v14, v15;
	v13 =	vsel vm3, v16, v13  }
0xbe: {  	v15 =	vperm.xlane v14, v2;
	v16 =	vperm.xlane v13, v2;
	_ =	sdelay $0x1  }
0xbf: {  	vm3 =	veq.f32 v15, v14;
	vm4 =	vlt.s32 v16, v13  }
0xc0: {  	vm5 =	vlt.f32 v15, v14;
	vm3 =	vmand vm3, vm4  }
0xc1: {  	vm3 =	vmor vm5, vm3  }
0xc2: {  	v14 =	vsel vm3, v15, v14;
	v13 =	vsel vm3, v16, v13  }
0xc3: {  	s11 =	simm.s32 $0x0;
	v15 =	vperm.xlane v14, v3;
	v16 =	vperm.xlane v13, v3  }
0xc4: {  	v18 =	vld [tilespmem:s11+$0x180]  }
0xc5: {  	vm3 =	veq.f32 v15, v14;
	vm4 =	vlt.s32 v16, v13  }
0xc6: {  	vm5 =	vlt.f32 v15, v14;
	vm3 =	vmand vm3, vm4  }
0xc7: {  	vm3 =	vmor vm5, vm3  }
0xc8: {  	v17 =	vimm.f32 $+Inf;
	v14 =	vsel vm3, v15, v14  }
0xc9: {  	v13 =	vsel vm3, v16, v13;
	v16 =	vimm.s32 $0x0;
	vm3 =	vlt.f32 v18, v17  }
0xca: {  	v20 =	vld [tilespmem:s11+$0x190];
	v17 =	vmin.f32 v17, v18;
	v15 =	vperm.xlane v14, v4;
	v19 =	vor.u32 $0xD, v16  }
0xcb: {  	v24 =	vld [tilespmem:s11+$0x1A0];
	v21 =	vor.u32 $0xA, v16;
	v22 =	vor.u32 $0xB, v16;
	v23 =	vor.u32 $0xC, v16  }
0xcc: {  	v28 =	vld [tilespmem:s11+$0x1B0];
	v25 =	vor.u32 $0x7, v16;
	v26 =	vor.u32 $0x8, v16;
	v27 =	vor.u32 $0x9, v16  }
0xcd: {  	v34 =	vld [tilespmem:s11+$0x1C0];
	v29 =	vor.u32 $0x4, v16;
	v30 =	vor.u32 $0x5, v16;
	v31 =	vor.u32 $0x6, v16  }
0xce: {  	v35 =	vld [tilespmem:s11+$0x1D0];
	v32 =	vor.u32 $0x2, v16;
	v33 =	vor.u32 $0x3, v16;
	v18 =	vor.u32 $0x1, v16  }
0xcf: {  	v36 =	vsel vm3, v16, v16;
	vm3 =	vlt.f32 v20, v17;
	v17 =	vmin.f32 v17, v20;
	v20 =	vld [tilespmem:s11+$0x1E0]  }
0xd0: {  	v56 =	vld [tilespmem:s11+$0x1F0];
	v18 =	vsel vm3, v18, v36;
	vm3 =	vlt.f32 v24, v17;
	v17 =	vmin.f32 v17, v24  }
0xd1: {  	v57 =	vld [tilespmem:s11+$0x380];
	v18 =	vsel vm3, v32, v18;
	vm3 =	vlt.f32 v28, v17;
	v17 =	vmin.f32 v17, v28  }
0xd2: {  	v58 =	vld [tilespmem:s11+$0x390];
	v18 =	vsel vm3, v33, v18;
	vm3 =	vlt.f32 v34, v17;
	v17 =	vmin.f32 v17, v34  }
0xd3: {  	v59 =	vld [tilespmem:s11+$0x3A0];
	v18 =	vsel vm3, v29, v18;
	vm3 =	vlt.f32 v35, v17;
	v17 =	vmin.f32 v17, v35  }
0xd4: {  	v18 =	vsel vm3, v30, v18;
	vm3 =	vlt.f32 v20, v17;
	v17 =	vmin.f32 v17, v20;
	v20 =	vld [tilespmem:s11+$0x3B0]  }
0xd5: {  	v60 =	vld [tilespmem:s11+$0x3C0];
	v18 =	vsel vm3, v31, v18;
	vm3 =	vlt.f32 v56, v17;
	v17 =	vmin.f32 v17, v56  }
0xd6: {  	v61 =	vld [tilespmem:s11+$0x3D0];
	v18 =	vsel vm3, v25, v18;
	vm3 =	vlt.f32 v57, v17;
	v17 =	vmin.f32 v17, v57  }
0xd7: {  	v62 =	vld [tilespmem:s11+$0x3E0];
	v18 =	vsel vm3, v26, v18;
	vm3 =	vlt.f32 v58, v17;
	v17 =	vmin.f32 v17, v58  }
0xd8: {  	v18 =	vsel vm3, v27, v18;
	vm3 =	vlt.f32 v59, v17;
	v17 =	vmin.f32 v17, v59  }
0xd9: {  	v63 =	vld [tilespmem:s11+$0x3F0];
	v18 =	vsel vm3, v21, v18;
	vm3 =	vlt.f32 v20, v17;
	v17 =	vmin.f32 v17, v20  }
0xda: {  	v18 =	vsel vm3, v22, v18;
	vm3 =	vlt.f32 v60, v17;
	v17 =	vmin.f32 v17, v60  }
0xdb: {  	v18 =	vsel vm3, v23, v18;
	vm3 =	vlt.f32 v61, v17;
	v20 =	vmin.f32 v17, v61  }
0xdc: {  	v21 =	vor.u32 $0xE, v16;
	v18 =	vsel vm3, v19, v18;
	vm3 =	vlt.f32 v62, v20  }
0xdd: {  	v17 =	vperm.xlane v13, v4;
	v19 =	vmin.f32 v20, v62;
	v20 =	vsel vm3, v21, v18  }
0xde: {  	s11 =	simm.s32 $0x1000;
	vm3 =	vlt.f32 v63, v19;
	v19 =	vmin.f32 v19, v63;
	v18 =	vimm.s32 $0x0  }
.LBB2_8:
0xdf: {  	s12 =	sshra.s32 s11, $0x2;
	p0 =	sne.s32 s11, $0x1F000;
	s11 =	sadd.s32 $0x1000, s11;
	v16 =	vadd.s32 $0x10, v16  }
0xe0: {  	v24 =	vor.u32 $0xF, v18;
	v21 =	vld [tilespmem:s12+$0x180];
	v22 =	vor.u32 $0xD, v16;
	v23 =	vor.u32 $0xE, v16;
	v18 =	vmovc v16  }
0xe1: {  	v26 =	vor.u32 $0xA, v16;
	v27 =	vor.u32 $0xB, v16;
	v28 =	vor.u32 $0xC, v16;
	v25 =	vld [tilespmem:s12+$0x190]  }
0xe2: {  	v30 =	vor.u32 $0x7, v16;
	v31 =	vor.u32 $0x8, v16;
	v32 =	vor.u32 $0x9, v16;
	v29 =	vld [tilespmem:s12+$0x1A0]  }
0xe3: {  	v34 =	vor.u32 $0x4, v16;
	v35 =	vor.u32 $0x5, v16;
	v36 =	vor.u32 $0x6, v16;
	v33 =	vld [tilespmem:s12+$0x1B0]  }
0xe4: {  	v37 =	vor.u32 $0x2, v16;
	v38 =	vor.u32 $0x3, v16;
	v20 =	vsel vm3, v24, v20;
	v39 =	vld [tilespmem:s12+$0x1C0]  }
0xe5: {  	vm3 =	vlt.f32 v21, v19;
	v19 =	vmin.f32 v19, v21;
	v21 =	vor.u32 $0x1, v16;
	v24 =	vld [tilespmem:s12+$0x1D0]  }
0xe6: {  	v20 =	vsel vm3, v16, v20;
	vm3 =	vlt.f32 v25, v19;
	v19 =	vmin.f32 v19, v25;
	v25 =	vld [tilespmem:s12+$0x1E0]  }
0xe7: {  	v20 =	vsel vm3, v21, v20;
	vm3 =	vlt.f32 v29, v19;
	v19 =	vmin.f32 v19, v29;
	v21 =	vld [tilespmem:s12+$0x1F0]  }
0xe8: {  	v20 =	vsel vm3, v37, v20;
	vm3 =	vlt.f32 v33, v19;
	v19 =	vmin.f32 v19, v33;
	v29 =	vld [tilespmem:s12+$0x380]  }
0xe9: {  	v20 =	vsel vm3, v38, v20;
	vm3 =	vlt.f32 v39, v19;
	v19 =	vmin.f32 v19, v39;
	v33 =	vld [tilespmem:s12+$0x390]  }
0xea: {  	v20 =	vsel vm3, v34, v20;
	vm3 =	vlt.f32 v24, v19;
	v19 =	vmin.f32 v19, v24;
	v24 =	vld [tilespmem:s12+$0x3A0]  }
0xeb: {  	v20 =	vsel vm3, v35, v20;
	vm3 =	vlt.f32 v25, v19;
	v19 =	vmin.f32 v19, v25;
	v25 =	vld [tilespmem:s12+$0x3B0]  }
0xec: {  	v20 =	vsel vm3, v36, v20;
	vm3 =	vlt.f32 v21, v19;
	v19 =	vmin.f32 v19, v21;
	v21 =	vld [tilespmem:s12+$0x3C0]  }
0xed: {  	v20 =	vsel vm3, v30, v20;
	vm3 =	vlt.f32 v29, v19;
	v19 =	vmin.f32 v19, v29;
	v29 =	vld [tilespmem:s12+$0x3D0]  }
0xee: {  	v20 =	vsel vm3, v31, v20;
	vm3 =	vlt.f32 v33, v19;
	v19 =	vmin.f32 v19, v33;
	v30 =	vld [tilespmem:s12+$0x3E0]  }
0xef: {  	v20 =	vsel vm3, v32, v20;
	vm3 =	vlt.f32 v24, v19;
	v19 =	vmin.f32 v19, v24;
	v24 =	vld [tilespmem:s12+$0x3F0]  }
.Ltmp3:
0xf0: {  	v20 =	vsel vm3, v26, v20;
	vm3 =	vlt.f32 v25, v19;
	v19 =	vmin.f32 v19, v25;
	(pc) =	sbr.rel @p0 .LBB2_8-.Ltmp3, $4  }
0xf1: {  	v20 =	vsel vm3, v27, v20;
	vm3 =	vlt.f32 v21, v19;
	v19 =	vmin.f32 v19, v21  }
0xf2: {  	v20 =	vsel vm3, v28, v20;
	vm3 =	vlt.f32 v29, v19;
	v19 =	vmin.f32 v19, v29  }
0xf3: {  	v20 =	vsel vm3, v22, v20;
	vm3 =	vlt.f32 v30, v19;
	v19 =	vmin.f32 v19, v30  }
0xf4: {  	v20 =	vsel vm3, v23, v20;
	vm3 =	vlt.f32 v24, v19;
	v19 =	vmin.f32 v19, v24  }
0xf5: {  	v16 =	vor.u32 $0xF, v18  }
0xf6: {  	v16 =	vsel vm3, v16, v20  }
0xf7: {  	v16 =	vshll.u32 v16, $0x4  }
0xf8: {  	v16 =	vor.u32 v0, v16  }
0xf9: {  	v58 =	vperm.xlane v19, v1;
	v59 =	vperm.xlane v16, v1;
	_ =	sdelay $0x1  }
0xfa: {  	vm3 =	veq.f32 v58, v19;
	vm4 =	vlt.s32 v59, v16  }
0xfb: {  	vm5 =	vlt.f32 v58, v19;
	vm3 =	vmand vm3, vm4  }
0xfc: {  	vm3 =	vmor vm5, vm3  }
0xfd: {  	v18 =	vsel vm3, v58, v19;
	v16 =	vsel vm3, v59, v16  }
0xfe: {  	v19 =	vperm.xlane v18, v2;
	v20 =	vperm.xlane v16, v2;
	_ =	sdelay $0x1  }
0xff: {  	vm9 =	veq.f32 v19, v18;
	vm10 =	vlt.s32 v20, v16  }
0x100: {  	vm8 =	vlt.s32 v8, v5;
	vm11 =	vlt.f32 v19, v18;
	vm4 =	vmand vm9, vm10  }
0x101: {  	vm6 =	vlt.f32 v7, v6;
	vm3 =	veq.f32 v7, v6;
	vm4 =	vmor vm11, vm4  }
0x102: {  	vm3 =	vmand vm3, vm8;
	v6 =	vsel vm4, v19, v18;
	v7 =	vsel vm4, v20, v16  }
0x103: {  	vm3 =	vmor vm6, vm3;
	v60 =	vperm.xlane v6, v3;
	v16 =	vperm.xlane v7, v3  }
0x104: {  	vm14 =	vlt.s32 v12, v9;
	v5 =	vsel vm3, v8, v5;
	vm3 =	vmmov $0x1  }
0x105: {  	v5 =	vnsel vm3, $0x0, v5;
	vm12 =	veq.f32 v60, v6;
	vm13 =	vlt.s32 v16, v7  }
0x106: {  	vm3 =	veq.f32 v11, v10;
	vm15 =	vlt.f32 v60, v6;
	vm4 =	vmand vm12, vm13  }
0x107: {  	vm9 =	vlt.f32 v11, v10;
	vm10 =	veq.f32 v15, v14;
	vm4 =	vmor vm15, vm4  }
0x108: {  	vm3 =	vmand vm3, vm14;
	v6 =	vsel vm4, v60, v6;
	v7 =	vsel vm4, v16, v7  }
0x109: {  	vm3 =	vmor vm9, vm3;
	v62 =	vperm.xlane v6, v4;
	v63 =	vperm.xlane v7, v4  }
0x10a: {  	vm11 =	vlt.s32 v17, v13;
	v61 =	vsel vm3, v12, v9;
	vm3 =	vlt.f32 v15, v14  }
0x10b: {  	vm4 =	vmand vm10, vm11;
	vm12 =	veq.f32 v62, v6;
	vm13 =	vlt.s32 v63, v7  }
0x10c: {  	vm3 =	vmor vm3, vm4;
	vm15 =	vlt.f32 v62, v6;
	vm14 =	vmand vm12, vm13  }
0x10d: {  	v5 =	vsel vm0, v5, v61;
	v6 =	vsel vm3, v17, v13;
	vm3 =	vmor vm15, vm14  }
0x10e: {  	s10 =	sadd.s32 $0x1, s10;
	v5 =	vsel vm1, v5, v6;
	v6 =	vsel vm3, v63, v7  }
0x10f: {  	p0 =	sne.s32 s10, s5;
	v5 =	vsel vm2, v5, v6  }
.Ltmp4:
0x110: {  	[tilespmem:$0x8000] =	vst v5;
	(pc) =	sbr.rel @p0 .LBB2_1-.Ltmp4, $4  }
0x111: {  	[hbm4b:s4+s1] =	stream.linear.scatter [tilespmem:s9], [sflag:$0x1], $0x80, $0x38;
	[tilespmem:$0x8080] =	vst v63  }
0x112: {  	_ =	swait.ge [sflag:s8], $0x80  }
0x113: {  	[sflag:s8] =	ssyncset.done $0x0  }
0x114: {  	[sflag:s8] =	ssyncadd.s32 $0xFFFFFF80  }
0x115: {  	_ =	sfence.sel $0x180000  }
0x116: {  	[bflag:$0x0] =	sbarrier.arrive $0xFFFF  }
0x117: {  	p0 =	sne.s32 s2, $0x0;
	_ =	strace $0x90000047  }
0x118: {  	s0 =	sadd.s32 @!p0 $0x100000, s0;
	[bflag:$0x2] =	sbarrier.arrive $0xFFFF  }
0x119: {  	[sflag:s0] =	ssyncadd.tile.s32 @!p0 $0x1;
	_ =	shalt  }
.Lfunc_end2:
_tile_overlayer_lowered:
.L_overlay_start_2:
0x11a: {  	(tag) =	ssettag $0x2  }
0x11b: {  	s0 =	rddreg [dreg:$0x0];
	s2 =	stileid.u32  }
0x11c: {  	s1 =	rddreg [dreg:$0x1];
	p0 =	sne.s32 s2, $0x0  }
0x11d: {  	s3 =	rddreg [dreg:$0x2];
	[bflag:$0x3] =	sbarrier.arrive $0xFFFF;
	s2 =	simm.s32 @!p0 $0x1C01  }
0x11e: {  	[timem:s3], [sflag:s2] =	dma.local @!p0 [hbm:s0], s1  }
0x11f: {  	s0 =	simm.s32 @!p0 $0x1  }
0x120: {  	_ =	swait.ge @!p0 [sflag:s0], s1  }
0x121: {  	s1 =	ssub.s32 @!p0 $0x0, s1;
	[sflag:s0] =	ssyncset.done @!p0 $0x0  }
0x122: {  	[sflag:s0] =	ssyncadd.s32 @!p0 s1  }
0x123: {  	[bflag:$0x3] =	sbarrier.arrive $0xFFFF  }
0x124: {  	_ =	shalt  }

</sc_bundles>
